<compile_context>
chip_gen: v7x
topology: tpu7x:2x2x1
jax: 0.10.2.dev20260603
libtpu: 0.0.44.dev20260713+nightly
codegen_flags: <defaults>
</compile_context>

<pallas_src>
import functools

import jax
import jax.numpy as jnp
from jax import lax
from jax.experimental import pallas as pl
from jax.experimental.pallas import tpu as pltpu
from jax.experimental.pallas import tpu_sc as plsc

_NC = 2
_NS = 16
_B = 128
_CG = 84
_NBUF = 3
_ALPHA = 0.5


def _sc_aggregate(x_bf, idx_src, idx_dst, n_nodes, n_groups, acc_rows):
    d = x_bf.shape[1]
    rows_per_tile = acc_rows // _NS
    wb = -(-(n_nodes // _NS) // _B) * _B
    n_full = n_nodes // wb
    wb_tail = n_nodes - n_full * wb

    mesh = plsc.VectorSubcoreMesh(
        core_axis_name="c", subcore_axis_name="s",
        num_cores=_NC, num_subcores=_NS)

    @functools.partial(
        pl.kernel,
        out_type=[
            jax.ShapeDtypeStruct((n_nodes, d), jnp.bfloat16),
            jax.ShapeDtypeStruct((n_nodes,), jnp.float32),
            jax.ShapeDtypeStruct((n_nodes, d), jnp.bfloat16),
            jax.ShapeDtypeStruct((n_nodes,), jnp.float32),
        ],
        mesh=mesh,
        compiler_params=pltpu.CompilerParams(use_tc_tiling_on_sc=False),
        scratch_types=[
            pltpu.VMEM_SHARED((acc_rows, d), jnp.bfloat16),
            pltpu.VMEM_SHARED((n_nodes + 8, d), jnp.bfloat16),
            pltpu.VMEM_SHARED((acc_rows,), jnp.float32),
            pltpu.VMEM((_CG, _B), jnp.int32),
            pltpu.VMEM((_CG, _B), jnp.int32),
            pltpu.VMEM((_B, d), jnp.bfloat16),
            pltpu.VMEM((_B, d), jnp.bfloat16),
            pltpu.VMEM((_B, d), jnp.bfloat16),
            pltpu.VMEM((_B,), jnp.float32),
            pltpu.VMEM((wb,), jnp.float32),
            pltpu.SemaphoreType.DMA,
            pltpu.SemaphoreType.DMA,
            pltpu.SemaphoreType.DMA,
            pltpu.SemaphoreType.DMA,
            pltpu.SemaphoreType.DMA,
            pltpu.SemaphoreType.DMA,
            pltpu.SemaphoreType.DMA,
        ],
    )
    def agg(x_hbm, src_hbm, dst_hbm,
            sum_in_hbm, cnt_in_hbm, sum_out_hbm, cnt_out_hbm,
            acc_sh, x_sh, cnt_sh, gi_v, si_v, r0, r1, r2, ones_v, cnt_v,
            g0, g1, g2, s0, s1, s2, sem_c):
        rows = (r0, r1, r2)
        sem_g = (g0, g1, g2)
        sem_s = (s0, s1, s2)
        c = lax.axis_index("c")
        s = lax.axis_index("s")

        @pl.when(s < n_full)
        def _():
            ob = s * wb
            pltpu.sync_copy(x_hbm.at[pl.ds(ob, wb)], x_sh.at[pl.ds(ob, wb)])

        if wb_tail:
            @pl.when(s == n_full)
            def _():
                tb = n_full * wb
                pltpu.sync_copy(x_hbm.at[pl.ds(tb, wb_tail)],
                                x_sh.at[pl.ds(tb, wb_tail)])

        zero2x16 = jnp.zeros((2, 16), jnp.bfloat16)
        zero16 = jnp.zeros((16,), jnp.float32)
        one16 = jnp.ones((16,), jnp.float32)

        def _zero_row(r, carry):
            for k in range(d // 16):
                r0[pl.ds(2 * r, 2), pl.ds(k * 16, 16)] = zero2x16
            return carry
        lax.fori_loop(0, _B // 2, _zero_row, 0)
        for k in range(wb // 16):
            cnt_v[pl.ds(k * 16, 16)] = zero16
        for k in range(_B // 16):
            ones_v[pl.ds(k * 16, 16)] = one16

        def _zero_acc(k, carry):
            pltpu.sync_copy(r0, acc_sh.at[pl.ds(s * rows_per_tile + k * _B,
                                                _B)])
            return carry
        lax.fori_loop(0, rows_per_tile // _B, _zero_acc, 0)
        pltpu.sync_copy(cnt_v, cnt_sh.at[pl.ds(s * wb, wb)])

        plsc.subcore_barrier()

        def _gather(j, b):
            pltpu.async_copy(x_sh.at[gi_v.at[j]], rows[b], sem_g[b])

        def _drain(b, sem):
            pltpu.make_async_copy(x_hbm.at[gi_v.at[0]], rows[b], sem).wait()

        def _round(q, carry):
            for b in range(_NBUF):
                j = _NBUF * q + b
                _drain(b, sem_g[b])
                pltpu.async_copy(rows[b], acc_sh.at[si_v.at[j]], sem_s[b],
                                 add=True)
                pltpu.async_copy(ones_v, cnt_sh.at[si_v.at[j]], sem_c,
                                 add=True)

                @pl.when(q < _CG // _NBUF - 1)
                def _():
                    _drain(b, sem_s[b])
                    _gather(j + _NBUF, b)
            return carry

        for h in range(n_groups):
            @pl.when(c == 0)
            def _():
                pltpu.sync_copy(src_hbm.at[s, h], gi_v)
                pltpu.sync_copy(dst_hbm.at[s, h], si_v)

            @pl.when(c != 0)
            def _():
                pltpu.sync_copy(dst_hbm.at[s, h], gi_v)
                pltpu.sync_copy(src_hbm.at[s, h], si_v)

            for b in range(_NBUF):
                _gather(b, b)
            lax.fori_loop(0, _CG // _NBUF, _round, 0)

            for b in range(_NBUF):
                _drain(b, sem_s[b])
            pltpu.make_async_copy(src_hbm.at[s, h], gi_v, sem_c).wait()

        plsc.subcore_barrier()

        def _wb(sum_hbm, cnt_hbm):
            @pl.when(s < n_full)
            def _():
                ob = s * wb
                pltpu.sync_copy(acc_sh.at[pl.ds(ob, wb)],
                                sum_hbm.at[pl.ds(ob, wb)])
                pltpu.sync_copy(cnt_sh.at[pl.ds(ob, wb)], cnt_v)
                pltpu.sync_copy(cnt_v, cnt_hbm.at[pl.ds(ob, wb)])

            if wb_tail:
                @pl.when(s == n_full)
                def _():
                    tb = n_full * wb
                    pltpu.sync_copy(acc_sh.at[pl.ds(tb, wb_tail)],
                                    sum_hbm.at[pl.ds(tb, wb_tail)])
                    pltpu.sync_copy(cnt_sh.at[pl.ds(tb, wb_tail)],
                                    cnt_v.at[pl.ds(0, wb_tail)])
                    pltpu.sync_copy(cnt_v.at[pl.ds(0, wb_tail)],
                                    cnt_hbm.at[pl.ds(tb, wb_tail)])

        @pl.when(c == 0)
        def _():
            _wb(sum_in_hbm, cnt_in_hbm)

        @pl.when(c != 0)
        def _():
            _wb(sum_out_hbm, cnt_out_hbm)

    return agg(x_bf, idx_src, idx_dst)


def _tc_combine(x, sum_in, cnt_in, sum_out, cnt_out,
                wself_t, wst_t, wts_t, bias_self, bias_st, bias_ts):
    n, d = x.shape
    blk = 1000
    grid = n // blk

    def body(x_r, si_r, ci_r, so_r, co_r, ws_r, wst_r, wts_r,
             bs_r, bst_r, bts_r, o_r):
        rin = (1.0 - _ALPHA) / jnp.maximum(ci_r[...], 1.0)
        rout = _ALPHA / jnp.maximum(co_r[...], 1.0)
        acc = jnp.dot(x_r[...], ws_r[...], preferred_element_type=jnp.float32)
        acc += jnp.dot(si_r[...].astype(jnp.float32), wst_r[...],
                       preferred_element_type=jnp.float32) * rin
        acc += jnp.dot(so_r[...].astype(jnp.float32), wts_r[...],
                       preferred_element_type=jnp.float32) * rout
        o_r[...] = acc + (bs_r[...] + (1.0 - _ALPHA) * bst_r[...]
                          + _ALPHA * bts_r[...])

    row_spec = pl.BlockSpec((blk, d), lambda i: (i, 0))
    cnt_spec = pl.BlockSpec((blk, 1), lambda i: (i, 0))
    full_spec = pl.BlockSpec((d, d), lambda i: (0, 0))
    bias_spec = pl.BlockSpec((1, d), lambda i: (0, 0))

    return pl.pallas_call(
        body,
        grid=(grid,),
        in_specs=[row_spec, row_spec, cnt_spec, row_spec, cnt_spec,
                  full_spec, full_spec, full_spec,
                  bias_spec, bias_spec, bias_spec],
        out_specs=row_spec,
        out_shape=jax.ShapeDtypeStruct((n, d), jnp.float32),
    )(x, sum_in, cnt_in.reshape(n, 1), sum_out, cnt_out.reshape(n, 1),
      wself_t, wst_t, wts_t,
      bias_self.reshape(1, d), bias_st.reshape(1, d), bias_ts.reshape(1, d))


def kernel(x, edge_index, W_self, b_self, W_st, b_st, W_ts, b_ts):
    n = x.shape[0]
    e = edge_index.shape[1]

    src = edge_index[0].astype(jnp.int32)
    dst = edge_index[1].astype(jnp.int32)
    x_bf = x.astype(jnp.bfloat16)

    n_groups = -(-e // (_NS * _CG * _B))
    total = _NS * n_groups * _CG * _B
    acc_rows = -(-(n + 1) // (_NS * _B)) * (_NS * _B)

    def _layout(idx):
        p = jnp.full((total,), n, jnp.int32)
        p = lax.dynamic_update_slice(p, idx, (0,))
        return p.reshape(_NS, n_groups, _CG, _B)

    sum_in, cnt_in, sum_out, cnt_out = _sc_aggregate(
        x_bf, _layout(src), _layout(dst), n, n_groups, acc_rows)

    return _tc_combine(x, sum_in, cnt_in, sum_out, cnt_out,
                       W_self.T, W_st.T, W_ts.T, b_self, b_st, b_ts)

# --- scband reference (transcript-rebuilt; emitter-appended) ---
"""Pipeline reference for scband-dir-sage-conv-31610959299133 (READ-ONLY COPY).

The authoritative reference and input builder live on the scoring server;
editing this copy changes nothing except your own understanding.
"""

import jax, jax.numpy as jnp
import numpy as np

N_NODES = 10000
N_EDGES = 320000
D_IN = 128
D_OUT = 128
ALPHA = 0.5

def setup_inputs(seed: int = 0) -> dict:
    key = jax.random.key(seed)
    ks = jax.random.split(key, 8)
    x = jax.random.normal(ks[0], (N_NODES, D_IN), dtype=jnp.float32)
    edge_index = jax.random.randint(ks[1], (2, N_EDGES), 0, N_NODES, dtype=jnp.int64)
    # lin_self: Linear(input_dim, output_dim)
    W_self = jax.random.normal(ks[2], (D_OUT, D_IN), dtype=jnp.float32) * 0.05
    b_self = jnp.zeros((D_OUT,), dtype=jnp.float32)
    # SAGEConv src->dst (root_weight=False): lin_l weight + bias
    W_st = jax.random.normal(ks[3], (D_OUT, D_IN), dtype=jnp.float32) * 0.05
    b_st = jnp.zeros((D_OUT,), dtype=jnp.float32)
    # SAGEConv dst->src (root_weight=False): lin_l weight + bias
    W_ts = jax.random.normal(ks[4], (D_OUT, D_IN), dtype=jnp.float32) * 0.05
    b_ts = jnp.zeros((D_OUT,), dtype=jnp.float32)
    return {"x": x, "edge_index": edge_index, "W_self": W_self, "b_self": b_self,
            "W_st": W_st, "b_st": b_st, "W_ts": W_ts, "b_ts": b_ts}

def _mean_aggregate(feat_gathered, seg_ids, num_segments):
    # scatter-add then divide by in-degree (empty segments -> 0, matching PyG scatter mean)
    s = jax.ops.segment_sum(feat_gathered, seg_ids, num_segments=num_segments)
    cnt = jax.ops.segment_sum(jnp.ones((feat_gathered.shape[0],), dtype=feat_gathered.dtype),
                              seg_ids, num_segments=num_segments)
    return s / jnp.clip(cnt, 1.0)[:, None]

def reference(x, edge_index, W_self, b_self, W_st, b_st, W_ts, b_ts):
    src = edge_index[0]
    dst = edge_index[1]
    N = x.shape[0]
    # conv_src_to_dst (flow='source_to_target'): mean of x[src] aggregated at dst
    mean_in = _mean_aggregate(jnp.take(x, src, axis=0), dst, N)
    h_st = mean_in @ W_st.T + b_st
    # conv_dst_to_src (flow='target_to_source'): mean of x[dst] aggregated at src
    mean_out = _mean_aggregate(jnp.take(x, dst, axis=0), src, N)
    h_ts = mean_out @ W_ts.T + b_ts
    out = (x @ W_self.T + b_self) + (1.0 - ALPHA) * h_st + ALPHA * h_ts
    return out

if __name__ == "__main__":
    import jax
    _d = setup_inputs()
    print(jax.jit(kernel)(*tuple(_d.values())))

</pallas_src>

<mosaic_0001>
#map = affine_map<(d0, d1) -> (0, 0)>
#map1 = affine_map<(d0, d1) -> (0, 0, 0, 0)>
#map2 = affine_map<(d0, d1) -> (0)>
module attributes {stable_mosaic.version = 14 : i64} {
  func.func @agg(%arg0: i32, %arg1: i32, %arg2: memref<10000x128xbf16, #tpu.memory_space<hbm>>, %arg3: memref<16x2x84x128xi32, #tpu.memory_space<hbm>>, %arg4: memref<16x2x84x128xi32, #tpu.memory_space<hbm>>, %arg5: memref<10000x128xbf16, #tpu.memory_space<hbm>>, %arg6: memref<10000xf32, #tpu.memory_space<hbm>>, %arg7: memref<10000x128xbf16, #tpu.memory_space<hbm>>, %arg8: memref<10000xf32, #tpu.memory_space<hbm>>, %arg9: memref<10240x128xbf16, #tpu.memory_space<vmem_shared>>, %arg10: memref<10008x128xbf16, #tpu.memory_space<vmem_shared>>, %arg11: memref<10240xf32, #tpu.memory_space<vmem_shared>>, %arg12: memref<84x128xi32, #tpu.memory_space<vmem>>, %arg13: memref<84x128xi32, #tpu.memory_space<vmem>>, %arg14: memref<128x128xbf16, #tpu.memory_space<vmem>>, %arg15: memref<128x128xbf16, #tpu.memory_space<vmem>>, %arg16: memref<128x128xbf16, #tpu.memory_space<vmem>>, %arg17: memref<128xf32, #tpu.memory_space<vmem>>, %arg18: memref<640xf32, #tpu.memory_space<vmem>>, %arg19: memref<!tpu.dma_semaphore, #tpu.memory_space<semaphore_mem>>, %arg20: memref<!tpu.dma_semaphore, #tpu.memory_space<semaphore_mem>>, %arg21: memref<!tpu.dma_semaphore, #tpu.memory_space<semaphore_mem>>, %arg22: memref<!tpu.dma_semaphore, #tpu.memory_space<semaphore_mem>>, %arg23: memref<!tpu.dma_semaphore, #tpu.memory_space<semaphore_mem>>, %arg24: memref<!tpu.dma_semaphore, #tpu.memory_space<semaphore_mem>>, %arg25: memref<!tpu.dma_semaphore, #tpu.memory_space<semaphore_mem>>) attributes {dimension_semantics = [#tpu.dimension_semantics<core_parallel>, #tpu.dimension_semantics<subcore_parallel>], iteration_bounds = array<i64: 2, 16>, scalar_prefetch = 0 : i64, scratch_operands = 17 : i64, tpu.core_type = #tpu.core_type<sc_vector_subcore>, window_params = [{transform_indices = #map}, {transform_indices = #map1}, {transform_indices = #map1}, {transform_indices = #map}, {transform_indices = #map2}, {transform_indices = #map}, {transform_indices = #map2}]} {
    %lt3A = arith.constant 15 : i32
    %lt3A_0 = arith.cmpi slt, %arg1, %lt3A : i32
    %convert_element_type3A = arith.extui %lt3A_0 : i1 to i32
    %cond3A = arith.constant 0 : i32
    %cond3A_1 = arith.cmpi ne, %convert_element_type3A, %cond3A : i32
    scf.if %cond3A_1 {
      %mul3A_356 = arith.constant 640 : i32
      %mul3A_357 = arith.muli %arg1, %mul3A_356 : i32
      "tpu.region"() ({
        %run_scoped3A = tpu.sem_alloc : memref<!tpu.dma_semaphore, #tpu.memory_space<semaphore_mem>>
        %dma_start3A_358 = arith.constant 0 : i32
        %dma_start3A_359 = tpu.memref_slice %arg10[%mul3A_357, %dma_start3A_358] : memref<10008x128xbf16, #tpu.memory_space<vmem_shared>> -> memref<640x128xbf16, #tpu.memory_space<vmem_shared>>
        %dma_start3A_360 = arith.constant 0 : i32
        %dma_start3A_361 = tpu.memref_slice %arg2[%mul3A_357, %dma_start3A_360] : memref<10000x128xbf16, #tpu.memory_space<hbm>> -> memref<640x128xbf16, #tpu.memory_space<hbm>>
        tpu.enqueue_dma source(%dma_start3A_361 : memref<640x128xbf16, #tpu.memory_space<hbm>>) target(%dma_start3A_359 : memref<640x128xbf16, #tpu.memory_space<vmem_shared>>) target_semaphore(%run_scoped3A : memref<!tpu.dma_semaphore, #tpu.memory_space<semaphore_mem>>)
        %dma_wait3A_362 = arith.constant 0 : i32
        %dma_wait3A_363 = tpu.memref_slice %arg10[%mul3A_357, %dma_wait3A_362] : memref<10008x128xbf16, #tpu.memory_space<vmem_shared>> -> memref<640x128xbf16, #tpu.memory_space<vmem_shared>>
        %dma_wait3A_364 = arith.constant 0 : i32
        %dma_wait3A_365 = tpu.memref_slice %arg2[%mul3A_357, %dma_wait3A_364] : memref<10000x128xbf16, #tpu.memory_space<hbm>> -> memref<640x128xbf16, #tpu.memory_space<hbm>>
        tpu.wait_dma2 semaphore(%run_scoped3A : memref<!tpu.dma_semaphore, #tpu.memory_space<semaphore_mem>>) src(%dma_wait3A_365 : memref<640x128xbf16, #tpu.memory_space<hbm>>) dst(%dma_wait3A_363 : memref<640x128xbf16, #tpu.memory_space<vmem_shared>>)
        tpu.yield
      }) : () -> ()
    } else {
    }
    %eq3A = arith.constant 15 : i32
    %eq3A_2 = arith.cmpi eq, %arg1, %eq3A : i32
    %convert_element_type3A_3 = arith.extui %eq3A_2 : i1 to i32
    %cond3A_4 = arith.constant 0 : i32
    %cond3A_5 = arith.cmpi ne, %convert_element_type3A_3, %cond3A_4 : i32
    scf.if %cond3A_5 {
      "tpu.region"() ({
        %run_scoped3A = tpu.sem_alloc : memref<!tpu.dma_semaphore, #tpu.memory_space<semaphore_mem>>
        %dma_start3A_356 = arith.constant 9600 : i32
        %dma_start3A_357 = arith.constant 0 : i32
        %dma_start3A_358 = tpu.memref_slice %arg10[%dma_start3A_356, %dma_start3A_357] : memref<10008x128xbf16, #tpu.memory_space<vmem_shared>> -> memref<400x128xbf16, #tpu.memory_space<vmem_shared>>
        %dma_start3A_359 = arith.constant 9600 : i32
        %dma_start3A_360 = arith.constant 0 : i32
        %dma_start3A_361 = tpu.memref_slice %arg2[%dma_start3A_359, %dma_start3A_360] : memref<10000x128xbf16, #tpu.memory_space<hbm>> -> memref<400x128xbf16, #tpu.memory_space<hbm>>
        tpu.enqueue_dma source(%dma_start3A_361 : memref<400x128xbf16, #tpu.memory_space<hbm>>) target(%dma_start3A_358 : memref<400x128xbf16, #tpu.memory_space<vmem_shared>>) target_semaphore(%run_scoped3A : memref<!tpu.dma_semaphore, #tpu.memory_space<semaphore_mem>>)
        %dma_wait3A_362 = arith.constant 9600 : i32
        %dma_wait3A_363 = arith.constant 0 : i32
        %dma_wait3A_364 = tpu.memref_slice %arg10[%dma_wait3A_362, %dma_wait3A_363] : memref<10008x128xbf16, #tpu.memory_space<vmem_shared>> -> memref<400x128xbf16, #tpu.memory_space<vmem_shared>>
        %dma_wait3A_365 = arith.constant 9600 : i32
        %dma_wait3A_366 = arith.constant 0 : i32
        %dma_wait3A_367 = tpu.memref_slice %arg2[%dma_wait3A_365, %dma_wait3A_366] : memref<10000x128xbf16, #tpu.memory_space<hbm>> -> memref<400x128xbf16, #tpu.memory_space<hbm>>
        tpu.wait_dma2 semaphore(%run_scoped3A : memref<!tpu.dma_semaphore, #tpu.memory_space<semaphore_mem>>) src(%dma_wait3A_367 : memref<400x128xbf16, #tpu.memory_space<hbm>>) dst(%dma_wait3A_364 : memref<400x128xbf16, #tpu.memory_space<vmem_shared>>)
        tpu.yield
      }) : () -> ()
    } else {
    }
    %broadcast_in_dim3A = arith.constant 0.000000e+00 : bf16
    %broadcast_in_dim3A_6 = vector.broadcast %broadcast_in_dim3A : bf16 to vector<2x16xbf16>
    %broadcast_in_dim3A_7 = arith.constant 0.000000e+00 : f32
    %broadcast_in_dim3A_8 = vector.broadcast %broadcast_in_dim3A_7 : f32 to vector<16xf32>
    %broadcast_in_dim3A_9 = arith.constant 1.000000e+00 : f32
    %broadcast_in_dim3A_10 = vector.broadcast %broadcast_in_dim3A_9 : f32 to vector<16xf32>
    %scan3A = arith.constant 0 : i32
    %scan3A_11 = arith.constant 0 : i32
    %scan3A_12 = arith.constant 64 : i32
    %scan3A_13 = arith.addi %scan3A_11, %scan3A_12 : i32
    %scan3A_14 = arith.constant 1 : i32
    scf.for %scan3A_356 = %scan3A_11 to %scan3A_13 step %scan3A_14  : i32 {
      %mul3A_357 = arith.constant 2 : i32
      %mul3A_358 = arith.muli %mul3A_357, %scan3A_356 : i32
      %swap3A_359 = arith.index_cast %mul3A_358 : i32 to index
      %swap3A_360 = arith.constant 0 : index
      %swap3A_361 = tpu.vector_load %arg14[%swap3A_359, %swap3A_360] {strides = array<i32>} : memref<128x128xbf16, #tpu.memory_space<vmem>>, vector<2x16xbf16>,
      %swap3A_362 = vector.shape_cast %swap3A_361 : vector<2x16xbf16> to vector<2x16xbf16>
      %swap3A_363 = vector.shape_cast %broadcast_in_dim3A_6 : vector<2x16xbf16> to vector<2x16xbf16>
      tpu.vector_store %arg14[%swap3A_359, %swap3A_360], %swap3A_363 {strides = array<i32>} : memref<128x128xbf16, #tpu.memory_space<vmem>>, vector<2x16xbf16>,
      %mul3A_364 = arith.constant 2 : i32
      %mul3A_365 = arith.muli %mul3A_364, %scan3A_356 : i32
      %swap3A_366 = arith.index_cast %mul3A_365 : i32 to index
      %swap3A_367 = arith.constant 16 : index
      %swap3A_368 = tpu.vector_load %arg14[%swap3A_366, %swap3A_367] {strides = array<i32>} : memref<128x128xbf16, #tpu.memory_space<vmem>>, vector<2x16xbf16>,
      %swap3A_369 = vector.shape_cast %swap3A_368 : vector<2x16xbf16> to vector<2x16xbf16>
      %swap3A_370 = vector.shape_cast %broadcast_in_dim3A_6 : vector<2x16xbf16> to vector<2x16xbf16>
      tpu.vector_store %arg14[%swap3A_366, %swap3A_367], %swap3A_370 {strides = array<i32>} : memref<128x128xbf16, #tpu.memory_space<vmem>>, vector<2x16xbf16>,
      %mul3A_371 = arith.constant 2 : i32
      %mul3A_372 = arith.muli %mul3A_371, %scan3A_356 : i32
      %swap3A_373 = arith.index_cast %mul3A_372 : i32 to index
      %swap3A_374 = arith.constant 32 : index
      %swap3A_375 = tpu.vector_load %arg14[%swap3A_373, %swap3A_374] {strides = array<i32>} : memref<128x128xbf16, #tpu.memory_space<vmem>>, vector<2x16xbf16>,
      %swap3A_376 = vector.shape_cast %swap3A_375 : vector<2x16xbf16> to vector<2x16xbf16>
      %swap3A_377 = vector.shape_cast %broadcast_in_dim3A_6 : vector<2x16xbf16> to vector<2x16xbf16>
      tpu.vector_store %arg14[%swap3A_373, %swap3A_374], %swap3A_377 {strides = array<i32>} : memref<128x128xbf16, #tpu.memory_space<vmem>>, vector<2x16xbf16>,
      %mul3A_378 = arith.constant 2 : i32
      %mul3A_379 = arith.muli %mul3A_378, %scan3A_356 : i32
      %swap3A_380 = arith.index_cast %mul3A_379 : i32 to index
      %swap3A_381 = arith.constant 48 : index
      %swap3A_382 = tpu.vector_load %arg14[%swap3A_380, %swap3A_381] {strides = array<i32>} : memref<128x128xbf16, #tpu.memory_space<vmem>>, vector<2x16xbf16>,
      %swap3A_383 = vector.shape_cast %swap3A_382 : vector<2x16xbf16> to vector<2x16xbf16>
      %swap3A_384 = vector.shape_cast %broadcast_in_dim3A_6 : vector<2x16xbf16> to vector<2x16xbf16>
      tpu.vector_store %arg14[%swap3A_380, %swap3A_381], %swap3A_384 {strides = array<i32>} : memref<128x128xbf16, #tpu.memory_space<vmem>>, vector<2x16xbf16>,
      %mul3A_385 = arith.constant 2 : i32
      %mul3A_386 = arith.muli %mul3A_385, %scan3A_356 : i32
      %swap3A_387 = arith.index_cast %mul3A_386 : i32 to index
      %swap3A_388 = arith.constant 64 : index
      %swap3A_389 = tpu.vector_load %arg14[%swap3A_387, %swap3A_388] {strides = array<i32>} : memref<128x128xbf16, #tpu.memory_space<vmem>>, vector<2x16xbf16>,
      %swap3A_390 = vector.shape_cast %swap3A_389 : vector<2x16xbf16> to vector<2x16xbf16>
      %swap3A_391 = vector.shape_cast %broadcast_in_dim3A_6 : vector<2x16xbf16> to vector<2x16xbf16>
      tpu.vector_store %arg14[%swap3A_387, %swap3A_388], %swap3A_391 {strides = array<i32>} : memref<128x128xbf16, #tpu.memory_space<vmem>>, vector<2x16xbf16>,
      %mul3A_392 = arith.constant 2 : i32
      %mul3A_393 = arith.muli %mul3A_392, %scan3A_356 : i32
      %swap3A_394 = arith.index_cast %mul3A_393 : i32 to index
      %swap3A_395 = arith.constant 80 : index
      %swap3A_396 = tpu.vector_load %arg14[%swap3A_394, %swap3A_395] {strides = array<i32>} : memref<128x128xbf16, #tpu.memory_space<vmem>>, vector<2x16xbf16>,
      %swap3A_397 = vector.shape_cast %swap3A_396 : vector<2x16xbf16> to vector<2x16xbf16>
      %swap3A_398 = vector.shape_cast %broadcast_in_dim3A_6 : vector<2x16xbf16> to vector<2x16xbf16>
      tpu.vector_store %arg14[%swap3A_394, %swap3A_395], %swap3A_398 {strides = array<i32>} : memref<128x128xbf16, #tpu.memory_space<vmem>>, vector<2x16xbf16>,
      %mul3A_399 = arith.constant 2 : i32
      %mul3A_400 = arith.muli %mul3A_399, %scan3A_356 : i32
      %swap3A_401 = arith.index_cast %mul3A_400 : i32 to index
      %swap3A_402 = arith.constant 96 : index
      %swap3A_403 = tpu.vector_load %arg14[%swap3A_401, %swap3A_402] {strides = array<i32>} : memref<128x128xbf16, #tpu.memory_space<vmem>>, vector<2x16xbf16>,
      %swap3A_404 = vector.shape_cast %swap3A_403 : vector<2x16xbf16> to vector<2x16xbf16>
      %swap3A_405 = vector.shape_cast %broadcast_in_dim3A_6 : vector<2x16xbf16> to vector<2x16xbf16>
      tpu.vector_store %arg14[%swap3A_401, %swap3A_402], %swap3A_405 {strides = array<i32>} : memref<128x128xbf16, #tpu.memory_space<vmem>>, vector<2x16xbf16>,
      %mul3A_406 = arith.constant 2 : i32
      %mul3A_407 = arith.muli %mul3A_406, %scan3A_356 : i32
      %swap3A_408 = arith.index_cast %mul3A_407 : i32 to index
      %swap3A_409 = arith.constant 112 : index
      %swap3A_410 = tpu.vector_load %arg14[%swap3A_408, %swap3A_409] {strides = array<i32>} : memref<128x128xbf16, #tpu.memory_space<vmem>>, vector<2x16xbf16>,
      %swap3A_411 = vector.shape_cast %swap3A_410 : vector<2x16xbf16> to vector<2x16xbf16>
      %swap3A_412 = vector.shape_cast %broadcast_in_dim3A_6 : vector<2x16xbf16> to vector<2x16xbf16>
      tpu.vector_store %arg14[%swap3A_408, %swap3A_409], %swap3A_412 {strides = array<i32>} : memref<128x128xbf16, #tpu.memory_space<vmem>>, vector<2x16xbf16>,
    }
    %scan3A_15 = arith.constant 64 : i32
    %swap3A = arith.constant 0 : index
    %swap3A_16 = tpu.vector_load %arg18[%swap3A] {strides = array<i32>} : memref<640xf32, #tpu.memory_space<vmem>>, vector<16xf32>,
    %swap3A_17 = vector.shape_cast %swap3A_16 : vector<16xf32> to vector<16xf32>
    %swap3A_18 = vector.shape_cast %broadcast_in_dim3A_8 : vector<16xf32> to vector<16xf32>
    tpu.vector_store %arg18[%swap3A], %swap3A_18 {strides = array<i32>} : memref<640xf32, #tpu.memory_space<vmem>>, vector<16xf32>,
    %swap3A_19 = arith.constant 16 : index
    %swap3A_20 = tpu.vector_load %arg18[%swap3A_19] {strides = array<i32>} : memref<640xf32, #tpu.memory_space<vmem>>, vector<16xf32>,
    %swap3A_21 = vector.shape_cast %swap3A_20 : vector<16xf32> to vector<16xf32>
    %swap3A_22 = vector.shape_cast %broadcast_in_dim3A_8 : vector<16xf32> to vector<16xf32>
    tpu.vector_store %arg18[%swap3A_19], %swap3A_22 {strides = array<i32>} : memref<640xf32, #tpu.memory_space<vmem>>, vector<16xf32>,
    %swap3A_23 = arith.constant 32 : index
    %swap3A_24 = tpu.vector_load %arg18[%swap3A_23] {strides = array<i32>} : memref<640xf32, #tpu.memory_space<vmem>>, vector<16xf32>,
    %swap3A_25 = vector.shape_cast %swap3A_24 : vector<16xf32> to vector<16xf32>
    %swap3A_26 = vector.shape_cast %broadcast_in_dim3A_8 : vector<16xf32> to vector<16xf32>
    tpu.vector_store %arg18[%swap3A_23], %swap3A_26 {strides = array<i32>} : memref<640xf32, #tpu.memory_space<vmem>>, vector<16xf32>,
    %swap3A_27 = arith.constant 48 : index
    %swap3A_28 = tpu.vector_load %arg18[%swap3A_27] {strides = array<i32>} : memref<640xf32, #tpu.memory_space<vmem>>, vector<16xf32>,
    %swap3A_29 = vector.shape_cast %swap3A_28 : vector<16xf32> to vector<16xf32>
    %swap3A_30 = vector.shape_cast %broadcast_in_dim3A_8 : vector<16xf32> to vector<16xf32>
    tpu.vector_store %arg18[%swap3A_27], %swap3A_30 {strides = array<i32>} : memref<640xf32, #tpu.memory_space<vmem>>, vector<16xf32>,
    %swap3A_31 = arith.constant 64 : index
    %swap3A_32 = tpu.vector_load %arg18[%swap3A_31] {strides = array<i32>} : memref<640xf32, #tpu.memory_space<vmem>>, vector<16xf32>,
    %swap3A_33 = vector.shape_cast %swap3A_32 : vector<16xf32> to vector<16xf32>
    %swap3A_34 = vector.shape_cast %broadcast_in_dim3A_8 : vector<16xf32> to vector<16xf32>
    tpu.vector_store %arg18[%swap3A_31], %swap3A_34 {strides = array<i32>} : memref<640xf32, #tpu.memory_space<vmem>>, vector<16xf32>,
    %swap3A_35 = arith.constant 80 : index
    %swap3A_36 = tpu.vector_load %arg18[%swap3A_35] {strides = array<i32>} : memref<640xf32, #tpu.memory_space<vmem>>, vector<16xf32>,
    %swap3A_37 = vector.shape_cast %swap3A_36 : vector<16xf32> to vector<16xf32>
    %swap3A_38 = vector.shape_cast %broadcast_in_dim3A_8 : vector<16xf32> to vector<16xf32>
    tpu.vector_store %arg18[%swap3A_35], %swap3A_38 {strides = array<i32>} : memref<640xf32, #tpu.memory_space<vmem>>, vector<16xf32>,
    %swap3A_39 = arith.constant 96 : index
    %swap3A_40 = tpu.vector_load %arg18[%swap3A_39] {strides = array<i32>} : memref<640xf32, #tpu.memory_space<vmem>>, vector<16xf32>,
    %swap3A_41 = vector.shape_cast %swap3A_40 : vector<16xf32> to vector<16xf32>
    %swap3A_42 = vector.shape_cast %broadcast_in_dim3A_8 : vector<16xf32> to vector<16xf32>
    tpu.vector_store %arg18[%swap3A_39], %swap3A_42 {strides = array<i32>} : memref<640xf32, #tpu.memory_space<vmem>>, vector<16xf32>,
    %swap3A_43 = arith.constant 112 : index
    %swap3A_44 = tpu.vector_load %arg18[%swap3A_43] {strides = array<i32>} : memref<640xf32, #tpu.memory_space<vmem>>, vector<16xf32>,
    %swap3A_45 = vector.shape_cast %swap3A_44 : vector<16xf32> to vector<16xf32>
    %swap3A_46 = vector.shape_cast %broadcast_in_dim3A_8 : vector<16xf32> to vector<16xf32>
    tpu.vector_store %arg18[%swap3A_43], %swap3A_46 {strides = array<i32>} : memref<640xf32, #tpu.memory_space<vmem>>, vector<16xf32>,
    %swap3A_47 = arith.constant 128 : index
    %swap3A_48 = tpu.vector_load %arg18[%swap3A_47] {strides = array<i32>} : memref<640xf32, #tpu.memory_space<vmem>>, vector<16xf32>,
    %swap3A_49 = vector.shape_cast %swap3A_48 : vector<16xf32> to vector<16xf32>
    %swap3A_50 = vector.shape_cast %broadcast_in_dim3A_8 : vector<16xf32> to vector<16xf32>
    tpu.vector_store %arg18[%swap3A_47], %swap3A_50 {strides = array<i32>} : memref<640xf32, #tpu.memory_space<vmem>>, vector<16xf32>,
    %swap3A_51 = arith.constant 144 : index
    %swap3A_52 = tpu.vector_load %arg18[%swap3A_51] {strides = array<i32>} : memref<640xf32, #tpu.memory_space<vmem>>, vector<16xf32>,
    %swap3A_53 = vector.shape_cast %swap3A_52 : vector<16xf32> to vector<16xf32>
    %swap3A_54 = vector.shape_cast %broadcast_in_dim3A_8 : vector<16xf32> to vector<16xf32>
    tpu.vector_store %arg18[%swap3A_51], %swap3A_54 {strides = array<i32>} : memref<640xf32, #tpu.memory_space<vmem>>, vector<16xf32>,
    %swap3A_55 = arith.constant 160 : index
    %swap3A_56 = tpu.vector_load %arg18[%swap3A_55] {strides = array<i32>} : memref<640xf32, #tpu.memory_space<vmem>>, vector<16xf32>,
    %swap3A_57 = vector.shape_cast %swap3A_56 : vector<16xf32> to vector<16xf32>
    %swap3A_58 = vector.shape_cast %broadcast_in_dim3A_8 : vector<16xf32> to vector<16xf32>
    tpu.vector_store %arg18[%swap3A_55], %swap3A_58 {strides = array<i32>} : memref<640xf32, #tpu.memory_space<vmem>>, vector<16xf32>,
    %swap3A_59 = arith.constant 176 : index
    %swap3A_60 = tpu.vector_load %arg18[%swap3A_59] {strides = array<i32>} : memref<640xf32, #tpu.memory_space<vmem>>, vector<16xf32>,
    %swap3A_61 = vector.shape_cast %swap3A_60 : vector<16xf32> to vector<16xf32>
    %swap3A_62 = vector.shape_cast %broadcast_in_dim3A_8 : vector<16xf32> to vector<16xf32>
    tpu.vector_store %arg18[%swap3A_59], %swap3A_62 {strides = array<i32>} : memref<640xf32, #tpu.memory_space<vmem>>, vector<16xf32>,
    %swap3A_63 = arith.constant 192 : index
    %swap3A_64 = tpu.vector_load %arg18[%swap3A_63] {strides = array<i32>} : memref<640xf32, #tpu.memory_space<vmem>>, vector<16xf32>,
    %swap3A_65 = vector.shape_cast %swap3A_64 : vector<16xf32> to vector<16xf32>
    %swap3A_66 = vector.shape_cast %broadcast_in_dim3A_8 : vector<16xf32> to vector<16xf32>
    tpu.vector_store %arg18[%swap3A_63], %swap3A_66 {strides = array<i32>} : memref<640xf32, #tpu.memory_space<vmem>>, vector<16xf32>,
    %swap3A_67 = arith.constant 208 : index
    %swap3A_68 = tpu.vector_load %arg18[%swap3A_67] {strides = array<i32>} : memref<640xf32, #tpu.memory_space<vmem>>, vector<16xf32>,
    %swap3A_69 = vector.shape_cast %swap3A_68 : vector<16xf32> to vector<16xf32>
    %swap3A_70 = vector.shape_cast %broadcast_in_dim3A_8 : vector<16xf32> to vector<16xf32>
    tpu.vector_store %arg18[%swap3A_67], %swap3A_70 {strides = array<i32>} : memref<640xf32, #tpu.memory_space<vmem>>, vector<16xf32>,
    %swap3A_71 = arith.constant 224 : index
    %swap3A_72 = tpu.vector_load %arg18[%swap3A_71] {strides = array<i32>} : memref<640xf32, #tpu.memory_space<vmem>>, vector<16xf32>,
    %swap3A_73 = vector.shape_cast %swap3A_72 : vector<16xf32> to vector<16xf32>
    %swap3A_74 = vector.shape_cast %broadcast_in_dim3A_8 : vector<16xf32> to vector<16xf32>
    tpu.vector_store %arg18[%swap3A_71], %swap3A_74 {strides = array<i32>} : memref<640xf32, #tpu.memory_space<vmem>>, vector<16xf32>,
    %swap3A_75 = arith.constant 240 : index
    %swap3A_76 = tpu.vector_load %arg18[%swap3A_75] {strides = array<i32>} : memref<640xf32, #tpu.memory_space<vmem>>, vector<16xf32>,
    %swap3A_77 = vector.shape_cast %swap3A_76 : vector<16xf32> to vector<16xf32>
    %swap3A_78 = vector.shape_cast %broadcast_in_dim3A_8 : vector<16xf32> to vector<16xf32>
    tpu.vector_store %arg18[%swap3A_75], %swap3A_78 {strides = array<i32>} : memref<640xf32, #tpu.memory_space<vmem>>, vector<16xf32>,
    %swap3A_79 = arith.constant 256 : index
    %swap3A_80 = tpu.vector_load %arg18[%swap3A_79] {strides = array<i32>} : memref<640xf32, #tpu.memory_space<vmem>>, vector<16xf32>,
    %swap3A_81 = vector.shape_cast %swap3A_80 : vector<16xf32> to vector<16xf32>
    %swap3A_82 = vector.shape_cast %broadcast_in_dim3A_8 : vector<16xf32> to vector<16xf32>
    tpu.vector_store %arg18[%swap3A_79], %swap3A_82 {strides = array<i32>} : memref<640xf32, #tpu.memory_space<vmem>>, vector<16xf32>,
    %swap3A_83 = arith.constant 272 : index
    %swap3A_84 = tpu.vector_load %arg18[%swap3A_83] {strides = array<i32>} : memref<640xf32, #tpu.memory_space<vmem>>, vector<16xf32>,
    %swap3A_85 = vector.shape_cast %swap3A_84 : vector<16xf32> to vector<16xf32>
    %swap3A_86 = vector.shape_cast %broadcast_in_dim3A_8 : vector<16xf32> to vector<16xf32>
    tpu.vector_store %arg18[%swap3A_83], %swap3A_86 {strides = array<i32>} : memref<640xf32, #tpu.memory_space<vmem>>, vector<16xf32>,
    %swap3A_87 = arith.constant 288 : index
    %swap3A_88 = tpu.vector_load %arg18[%swap3A_87] {strides = array<i32>} : memref<640xf32, #tpu.memory_space<vmem>>, vector<16xf32>,
    %swap3A_89 = vector.shape_cast %swap3A_88 : vector<16xf32> to vector<16xf32>
    %swap3A_90 = vector.shape_cast %broadcast_in_dim3A_8 : vector<16xf32> to vector<16xf32>
    tpu.vector_store %arg18[%swap3A_87], %swap3A_90 {strides = array<i32>} : memref<640xf32, #tpu.memory_space<vmem>>, vector<16xf32>,
    %swap3A_91 = arith.constant 304 : index
    %swap3A_92 = tpu.vector_load %arg18[%swap3A_91] {strides = array<i32>} : memref<640xf32, #tpu.memory_space<vmem>>, vector<16xf32>,
    %swap3A_93 = vector.shape_cast %swap3A_92 : vector<16xf32> to vector<16xf32>
    %swap3A_94 = vector.shape_cast %broadcast_in_dim3A_8 : vector<16xf32> to vector<16xf32>
    tpu.vector_store %arg18[%swap3A_91], %swap3A_94 {strides = array<i32>} : memref<640xf32, #tpu.memory_space<vmem>>, vector<16xf32>,
    %swap3A_95 = arith.constant 320 : index
    %swap3A_96 = tpu.vector_load %arg18[%swap3A_95] {strides = array<i32>} : memref<640xf32, #tpu.memory_space<vmem>>, vector<16xf32>,
    %swap3A_97 = vector.shape_cast %swap3A_96 : vector<16xf32> to vector<16xf32>
    %swap3A_98 = vector.shape_cast %broadcast_in_dim3A_8 : vector<16xf32> to vector<16xf32>
    tpu.vector_store %arg18[%swap3A_95], %swap3A_98 {strides = array<i32>} : memref<640xf32, #tpu.memory_space<vmem>>, vector<16xf32>,
    %swap3A_99 = arith.constant 336 : index
    %swap3A_100 = tpu.vector_load %arg18[%swap3A_99] {strides = array<i32>} : memref<640xf32, #tpu.memory_space<vmem>>, vector<16xf32>,
    %swap3A_101 = vector.shape_cast %swap3A_100 : vector<16xf32> to vector<16xf32>
    %swap3A_102 = vector.shape_cast %broadcast_in_dim3A_8 : vector<16xf32> to vector<16xf32>
    tpu.vector_store %arg18[%swap3A_99], %swap3A_102 {strides = array<i32>} : memref<640xf32, #tpu.memory_space<vmem>>, vector<16xf32>,
    %swap3A_103 = arith.constant 352 : index
    %swap3A_104 = tpu.vector_load %arg18[%swap3A_103] {strides = array<i32>} : memref<640xf32, #tpu.memory_space<vmem>>, vector<16xf32>,
    %swap3A_105 = vector.shape_cast %swap3A_104 : vector<16xf32> to vector<16xf32>
    %swap3A_106 = vector.shape_cast %broadcast_in_dim3A_8 : vector<16xf32> to vector<16xf32>
    tpu.vector_store %arg18[%swap3A_103], %swap3A_106 {strides = array<i32>} : memref<640xf32, #tpu.memory_space<vmem>>, vector<16xf32>,
    %swap3A_107 = arith.constant 368 : index
    %swap3A_108 = tpu.vector_load %arg18[%swap3A_107] {strides = array<i32>} : memref<640xf32, #tpu.memory_space<vmem>>, vector<16xf32>,
    %swap3A_109 = vector.shape_cast %swap3A_108 : vector<16xf32> to vector<16xf32>
    %swap3A_110 = vector.shape_cast %broadcast_in_dim3A_8 : vector<16xf32> to vector<16xf32>
    tpu.vector_store %arg18[%swap3A_107], %swap3A_110 {strides = array<i32>} : memref<640xf32, #tpu.memory_space<vmem>>, vector<16xf32>,
    %swap3A_111 = arith.constant 384 : index
    %swap3A_112 = tpu.vector_load %arg18[%swap3A_111] {strides = array<i32>} : memref<640xf32, #tpu.memory_space<vmem>>, vector<16xf32>,
    %swap3A_113 = vector.shape_cast %swap3A_112 : vector<16xf32> to vector<16xf32>
    %swap3A_114 = vector.shape_cast %broadcast_in_dim3A_8 : vector<16xf32> to vector<16xf32>
    tpu.vector_store %arg18[%swap3A_111], %swap3A_114 {strides = array<i32>} : memref<640xf32, #tpu.memory_space<vmem>>, vector<16xf32>,
    %swap3A_115 = arith.constant 400 : index
    %swap3A_116 = tpu.vector_load %arg18[%swap3A_115] {strides = array<i32>} : memref<640xf32, #tpu.memory_space<vmem>>, vector<16xf32>,
    %swap3A_117 = vector.shape_cast %swap3A_116 : vector<16xf32> to vector<16xf32>
    %swap3A_118 = vector.shape_cast %broadcast_in_dim3A_8 : vector<16xf32> to vector<16xf32>
    tpu.vector_store %arg18[%swap3A_115], %swap3A_118 {strides = array<i32>} : memref<640xf32, #tpu.memory_space<vmem>>, vector<16xf32>,
    %swap3A_119 = arith.constant 416 : index
    %swap3A_120 = tpu.vector_load %arg18[%swap3A_119] {strides = array<i32>} : memref<640xf32, #tpu.memory_space<vmem>>, vector<16xf32>,
    %swap3A_121 = vector.shape_cast %swap3A_120 : vector<16xf32> to vector<16xf32>
    %swap3A_122 = vector.shape_cast %broadcast_in_dim3A_8 : vector<16xf32> to vector<16xf32>
    tpu.vector_store %arg18[%swap3A_119], %swap3A_122 {strides = array<i32>} : memref<640xf32, #tpu.memory_space<vmem>>, vector<16xf32>,
    %swap3A_123 = arith.constant 432 : index
    %swap3A_124 = tpu.vector_load %arg18[%swap3A_123] {strides = array<i32>} : memref<640xf32, #tpu.memory_space<vmem>>, vector<16xf32>,
    %swap3A_125 = vector.shape_cast %swap3A_124 : vector<16xf32> to vector<16xf32>
    %swap3A_126 = vector.shape_cast %broadcast_in_dim3A_8 : vector<16xf32> to vector<16xf32>
    tpu.vector_store %arg18[%swap3A_123], %swap3A_126 {strides = array<i32>} : memref<640xf32, #tpu.memory_space<vmem>>, vector<16xf32>,
    %swap3A_127 = arith.constant 448 : index
    %swap3A_128 = tpu.vector_load %arg18[%swap3A_127] {strides = array<i32>} : memref<640xf32, #tpu.memory_space<vmem>>, vector<16xf32>,
    %swap3A_129 = vector.shape_cast %swap3A_128 : vector<16xf32> to vector<16xf32>
    %swap3A_130 = vector.shape_cast %broadcast_in_dim3A_8 : vector<16xf32> to vector<16xf32>
    tpu.vector_store %arg18[%swap3A_127], %swap3A_130 {strides = array<i32>} : memref<640xf32, #tpu.memory_space<vmem>>, vector<16xf32>,
    %swap3A_131 = arith.constant 464 : index
    %swap3A_132 = tpu.vector_load %arg18[%swap3A_131] {strides = array<i32>} : memref<640xf32, #tpu.memory_space<vmem>>, vector<16xf32>,
    %swap3A_133 = vector.shape_cast %swap3A_132 : vector<16xf32> to vector<16xf32>
    %swap3A_134 = vector.shape_cast %broadcast_in_dim3A_8 : vector<16xf32> to vector<16xf32>
    tpu.vector_store %arg18[%swap3A_131], %swap3A_134 {strides = array<i32>} : memref<640xf32, #tpu.memory_space<vmem>>, vector<16xf32>,
    %swap3A_135 = arith.constant 480 : index
    %swap3A_136 = tpu.vector_load %arg18[%swap3A_135] {strides = array<i32>} : memref<640xf32, #tpu.memory_space<vmem>>, vector<16xf32>,
    %swap3A_137 = vector.shape_cast %swap3A_136 : vector<16xf32> to vector<16xf32>
    %swap3A_138 = vector.shape_cast %broadcast_in_dim3A_8 : vector<16xf32> to vector<16xf32>
    tpu.vector_store %arg18[%swap3A_135], %swap3A_138 {strides = array<i32>} : memref<640xf32, #tpu.memory_space<vmem>>, vector<16xf32>,
    %swap3A_139 = arith.constant 496 : index
    %swap3A_140 = tpu.vector_load %arg18[%swap3A_139] {strides = array<i32>} : memref<640xf32, #tpu.memory_space<vmem>>, vector<16xf32>,
    %swap3A_141 = vector.shape_cast %swap3A_140 : vector<16xf32> to vector<16xf32>
    %swap3A_142 = vector.shape_cast %broadcast_in_dim3A_8 : vector<16xf32> to vector<16xf32>
    tpu.vector_store %arg18[%swap3A_139], %swap3A_142 {strides = array<i32>} : memref<640xf32, #tpu.memory_space<vmem>>, vector<16xf32>,
    %swap3A_143 = arith.constant 512 : index
    %swap3A_144 = tpu.vector_load %arg18[%swap3A_143] {strides = array<i32>} : memref<640xf32, #tpu.memory_space<vmem>>, vector<16xf32>,
    %swap3A_145 = vector.shape_cast %swap3A_144 : vector<16xf32> to vector<16xf32>
    %swap3A_146 = vector.shape_cast %broadcast_in_dim3A_8 : vector<16xf32> to vector<16xf32>
    tpu.vector_store %arg18[%swap3A_143], %swap3A_146 {strides = array<i32>} : memref<640xf32, #tpu.memory_space<vmem>>, vector<16xf32>,
    %swap3A_147 = arith.constant 528 : index
    %swap3A_148 = tpu.vector_load %arg18[%swap3A_147] {strides = array<i32>} : memref<640xf32, #tpu.memory_space<vmem>>, vector<16xf32>,
    %swap3A_149 = vector.shape_cast %swap3A_148 : vector<16xf32> to vector<16xf32>
    %swap3A_150 = vector.shape_cast %broadcast_in_dim3A_8 : vector<16xf32> to vector<16xf32>
    tpu.vector_store %arg18[%swap3A_147], %swap3A_150 {strides = array<i32>} : memref<640xf32, #tpu.memory_space<vmem>>, vector<16xf32>,
    %swap3A_151 = arith.constant 544 : index
    %swap3A_152 = tpu.vector_load %arg18[%swap3A_151] {strides = array<i32>} : memref<640xf32, #tpu.memory_space<vmem>>, vector<16xf32>,
    %swap3A_153 = vector.shape_cast %swap3A_152 : vector<16xf32> to vector<16xf32>
    %swap3A_154 = vector.shape_cast %broadcast_in_dim3A_8 : vector<16xf32> to vector<16xf32>
    tpu.vector_store %arg18[%swap3A_151], %swap3A_154 {strides = array<i32>} : memref<640xf32, #tpu.memory_space<vmem>>, vector<16xf32>,
    %swap3A_155 = arith.constant 560 : index
    %swap3A_156 = tpu.vector_load %arg18[%swap3A_155] {strides = array<i32>} : memref<640xf32, #tpu.memory_space<vmem>>, vector<16xf32>,
    %swap3A_157 = vector.shape_cast %swap3A_156 : vector<16xf32> to vector<16xf32>
    %swap3A_158 = vector.shape_cast %broadcast_in_dim3A_8 : vector<16xf32> to vector<16xf32>
    tpu.vector_store %arg18[%swap3A_155], %swap3A_158 {strides = array<i32>} : memref<640xf32, #tpu.memory_space<vmem>>, vector<16xf32>,
    %swap3A_159 = arith.constant 576 : index
    %swap3A_160 = tpu.vector_load %arg18[%swap3A_159] {strides = array<i32>} : memref<640xf32, #tpu.memory_space<vmem>>, vector<16xf32>,
    %swap3A_161 = vector.shape_cast %swap3A_160 : vector<16xf32> to vector<16xf32>
    %swap3A_162 = vector.shape_cast %broadcast_in_dim3A_8 : vector<16xf32> to vector<16xf32>
    tpu.vector_store %arg18[%swap3A_159], %swap3A_162 {strides = array<i32>} : memref<640xf32, #tpu.memory_space<vmem>>, vector<16xf32>,
    %swap3A_163 = arith.constant 592 : index
    %swap3A_164 = tpu.vector_load %arg18[%swap3A_163] {strides = array<i32>} : memref<640xf32, #tpu.memory_space<vmem>>, vector<16xf32>,
    %swap3A_165 = vector.shape_cast %swap3A_164 : vector<16xf32> to vector<16xf32>
    %swap3A_166 = vector.shape_cast %broadcast_in_dim3A_8 : vector<16xf32> to vector<16xf32>
    tpu.vector_store %arg18[%swap3A_163], %swap3A_166 {strides = array<i32>} : memref<640xf32, #tpu.memory_space<vmem>>, vector<16xf32>,
    %swap3A_167 = arith.constant 608 : index
    %swap3A_168 = tpu.vector_load %arg18[%swap3A_167] {strides = array<i32>} : memref<640xf32, #tpu.memory_space<vmem>>, vector<16xf32>,
    %swap3A_169 = vector.shape_cast %swap3A_168 : vector<16xf32> to vector<16xf32>
    %swap3A_170 = vector.shape_cast %broadcast_in_dim3A_8 : vector<16xf32> to vector<16xf32>
    tpu.vector_store %arg18[%swap3A_167], %swap3A_170 {strides = array<i32>} : memref<640xf32, #tpu.memory_space<vmem>>, vector<16xf32>,
    %swap3A_171 = arith.constant 624 : index
    %swap3A_172 = tpu.vector_load %arg18[%swap3A_171] {strides = array<i32>} : memref<640xf32, #tpu.memory_space<vmem>>, vector<16xf32>,
    %swap3A_173 = vector.shape_cast %swap3A_172 : vector<16xf32> to vector<16xf32>
    %swap3A_174 = vector.shape_cast %broadcast_in_dim3A_8 : vector<16xf32> to vector<16xf32>
    tpu.vector_store %arg18[%swap3A_171], %swap3A_174 {strides = array<i32>} : memref<640xf32, #tpu.memory_space<vmem>>, vector<16xf32>,
    %swap3A_175 = arith.constant 0 : index
    %swap3A_176 = tpu.vector_load %arg17[%swap3A_175] {strides = array<i32>} : memref<128xf32, #tpu.memory_space<vmem>>, vector<16xf32>,
    %swap3A_177 = vector.shape_cast %swap3A_176 : vector<16xf32> to vector<16xf32>
    %swap3A_178 = vector.shape_cast %broadcast_in_dim3A_10 : vector<16xf32> to vector<16xf32>
    tpu.vector_store %arg17[%swap3A_175], %swap3A_178 {strides = array<i32>} : memref<128xf32, #tpu.memory_space<vmem>>, vector<16xf32>,
    %swap3A_179 = arith.constant 16 : index
    %swap3A_180 = tpu.vector_load %arg17[%swap3A_179] {strides = array<i32>} : memref<128xf32, #tpu.memory_space<vmem>>, vector<16xf32>,
    %swap3A_181 = vector.shape_cast %swap3A_180 : vector<16xf32> to vector<16xf32>
    %swap3A_182 = vector.shape_cast %broadcast_in_dim3A_10 : vector<16xf32> to vector<16xf32>
    tpu.vector_store %arg17[%swap3A_179], %swap3A_182 {strides = array<i32>} : memref<128xf32, #tpu.memory_space<vmem>>, vector<16xf32>,
    %swap3A_183 = arith.constant 32 : index
    %swap3A_184 = tpu.vector_load %arg17[%swap3A_183] {strides = array<i32>} : memref<128xf32, #tpu.memory_space<vmem>>, vector<16xf32>,
    %swap3A_185 = vector.shape_cast %swap3A_184 : vector<16xf32> to vector<16xf32>
    %swap3A_186 = vector.shape_cast %broadcast_in_dim3A_10 : vector<16xf32> to vector<16xf32>
    tpu.vector_store %arg17[%swap3A_183], %swap3A_186 {strides = array<i32>} : memref<128xf32, #tpu.memory_space<vmem>>, vector<16xf32>,
    %swap3A_187 = arith.constant 48 : index
    %swap3A_188 = tpu.vector_load %arg17[%swap3A_187] {strides = array<i32>} : memref<128xf32, #tpu.memory_space<vmem>>, vector<16xf32>,
    %swap3A_189 = vector.shape_cast %swap3A_188 : vector<16xf32> to vector<16xf32>
    %swap3A_190 = vector.shape_cast %broadcast_in_dim3A_10 : vector<16xf32> to vector<16xf32>
    tpu.vector_store %arg17[%swap3A_187], %swap3A_190 {strides = array<i32>} : memref<128xf32, #tpu.memory_space<vmem>>, vector<16xf32>,
    %swap3A_191 = arith.constant 64 : index
    %swap3A_192 = tpu.vector_load %arg17[%swap3A_191] {strides = array<i32>} : memref<128xf32, #tpu.memory_space<vmem>>, vector<16xf32>,
    %swap3A_193 = vector.shape_cast %swap3A_192 : vector<16xf32> to vector<16xf32>
    %swap3A_194 = vector.shape_cast %broadcast_in_dim3A_10 : vector<16xf32> to vector<16xf32>
    tpu.vector_store %arg17[%swap3A_191], %swap3A_194 {strides = array<i32>} : memref<128xf32, #tpu.memory_space<vmem>>, vector<16xf32>,
    %swap3A_195 = arith.constant 80 : index
    %swap3A_196 = tpu.vector_load %arg17[%swap3A_195] {strides = array<i32>} : memref<128xf32, #tpu.memory_space<vmem>>, vector<16xf32>,
    %swap3A_197 = vector.shape_cast %swap3A_196 : vector<16xf32> to vector<16xf32>
    %swap3A_198 = vector.shape_cast %broadcast_in_dim3A_10 : vector<16xf32> to vector<16xf32>
    tpu.vector_store %arg17[%swap3A_195], %swap3A_198 {strides = array<i32>} : memref<128xf32, #tpu.memory_space<vmem>>, vector<16xf32>,
    %swap3A_199 = arith.constant 96 : index
    %swap3A_200 = tpu.vector_load %arg17[%swap3A_199] {strides = array<i32>} : memref<128xf32, #tpu.memory_space<vmem>>, vector<16xf32>,
    %swap3A_201 = vector.shape_cast %swap3A_200 : vector<16xf32> to vector<16xf32>
    %swap3A_202 = vector.shape_cast %broadcast_in_dim3A_10 : vector<16xf32> to vector<16xf32>
    tpu.vector_store %arg17[%swap3A_199], %swap3A_202 {strides = array<i32>} : memref<128xf32, #tpu.memory_space<vmem>>, vector<16xf32>,
    %swap3A_203 = arith.constant 112 : index
    %swap3A_204 = tpu.vector_load %arg17[%swap3A_203] {strides = array<i32>} : memref<128xf32, #tpu.memory_space<vmem>>, vector<16xf32>,
    %swap3A_205 = vector.shape_cast %swap3A_204 : vector<16xf32> to vector<16xf32>
    %swap3A_206 = vector.shape_cast %broadcast_in_dim3A_10 : vector<16xf32> to vector<16xf32>
    tpu.vector_store %arg17[%swap3A_203], %swap3A_206 {strides = array<i32>} : memref<128xf32, #tpu.memory_space<vmem>>, vector<16xf32>,
    %scan3A_207 = arith.constant 0 : i32
    %scan3A_208 = arith.constant 0 : i32
    %scan3A_209 = arith.constant 5 : i32
    %scan3A_210 = arith.addi %scan3A_208, %scan3A_209 : i32
    %scan3A_211 = arith.constant 1 : i32
    scf.for %scan3A_356 = %scan3A_208 to %scan3A_210 step %scan3A_211  : i32 {
      %mul3A_357 = arith.constant 640 : i32
      %mul3A_358 = arith.muli %arg1, %mul3A_357 : i32
      %mul3A_359 = arith.constant 128 : i32
      %mul3A_360 = arith.muli %scan3A_356, %mul3A_359 : i32
      %add3A = arith.addi %mul3A_358, %mul3A_360 : i32
      "tpu.region"() ({
        %run_scoped3A = tpu.sem_alloc : memref<!tpu.dma_semaphore, #tpu.memory_space<semaphore_mem>>
        %dma_start3A_361 = arith.constant 0 : i32
        %dma_start3A_362 = tpu.memref_slice %arg9[%add3A, %dma_start3A_361] : memref<10240x128xbf16, #tpu.memory_space<vmem_shared>> -> memref<128x128xbf16, #tpu.memory_space<vmem_shared>>
        %dma_start3A_363 = arith.constant 0 : i32
        %dma_start3A_364 = tpu.memref_slice %arg9[%add3A, %dma_start3A_363] : memref<10240x128xbf16, #tpu.memory_space<vmem_shared>> -> memref<128x128xbf16, #tpu.memory_space<vmem_shared>>
        tpu.enqueue_dma source(%arg14 : memref<128x128xbf16, #tpu.memory_space<vmem>>) target(%dma_start3A_364 : memref<128x128xbf16, #tpu.memory_space<vmem_shared>>) target_semaphore(%run_scoped3A : memref<!tpu.dma_semaphore, #tpu.memory_space<semaphore_mem>>)
        %dma_wait3A_365 = arith.constant 0 : i32
        %dma_wait3A_366 = tpu.memref_slice %arg9[%add3A, %dma_wait3A_365] : memref<10240x128xbf16, #tpu.memory_space<vmem_shared>> -> memref<128x128xbf16, #tpu.memory_space<vmem_shared>>
        %dma_wait3A_367 = arith.constant 0 : i32
        %dma_wait3A_368 = tpu.memref_slice %arg9[%add3A, %dma_wait3A_367] : memref<10240x128xbf16, #tpu.memory_space<vmem_shared>> -> memref<128x128xbf16, #tpu.memory_space<vmem_shared>>
        tpu.wait_dma2 semaphore(%run_scoped3A : memref<!tpu.dma_semaphore, #tpu.memory_space<semaphore_mem>>) src(%arg14 : memref<128x128xbf16, #tpu.memory_space<vmem>>) dst(%dma_wait3A_368 : memref<128x128xbf16, #tpu.memory_space<vmem_shared>>)
        tpu.yield
      }) : () -> ()
    }
    %scan3A_212 = arith.constant 5 : i32
    %mul3A = arith.constant 640 : i32
    %mul3A_213 = arith.muli %arg1, %mul3A : i32
    "tpu.region"() ({
      %run_scoped3A = tpu.sem_alloc : memref<!tpu.dma_semaphore, #tpu.memory_space<semaphore_mem>>
      %dma_start3A_356 = tpu.memref_slice %arg11[%mul3A_213] : memref<10240xf32, #tpu.memory_space<vmem_shared>> -> memref<640xf32, #tpu.memory_space<vmem_shared>>
      %dma_start3A_357 = tpu.memref_slice %arg11[%mul3A_213] : memref<10240xf32, #tpu.memory_space<vmem_shared>> -> memref<640xf32, #tpu.memory_space<vmem_shared>>
      tpu.enqueue_dma source(%arg18 : memref<640xf32, #tpu.memory_space<vmem>>) target(%dma_start3A_357 : memref<640xf32, #tpu.memory_space<vmem_shared>>) target_semaphore(%run_scoped3A : memref<!tpu.dma_semaphore, #tpu.memory_space<semaphore_mem>>)
      %dma_wait3A_358 = tpu.memref_slice %arg11[%mul3A_213] : memref<10240xf32, #tpu.memory_space<vmem_shared>> -> memref<640xf32, #tpu.memory_space<vmem_shared>>
      %dma_wait3A_359 = tpu.memref_slice %arg11[%mul3A_213] : memref<10240xf32, #tpu.memory_space<vmem_shared>> -> memref<640xf32, #tpu.memory_space<vmem_shared>>
      tpu.wait_dma2 semaphore(%run_scoped3A : memref<!tpu.dma_semaphore, #tpu.memory_space<semaphore_mem>>) src(%arg18 : memref<640xf32, #tpu.memory_space<vmem>>) dst(%dma_wait3A_359 : memref<640xf32, #tpu.memory_space<vmem_shared>>)
      tpu.yield
    }) : () -> ()
    %barrier3A = arith.constant 0 : index
    tpu.barrier barrier_id(%barrier3A)
    %eq3A_214 = arith.constant 0 : i32
    %eq3A_215 = arith.cmpi eq, %arg0, %eq3A_214 : i32
    %convert_element_type3A_216 = arith.extui %eq3A_215 : i1 to i32
    %cond3A_217 = arith.constant 0 : i32
    %cond3A_218 = arith.cmpi ne, %convert_element_type3A_216, %cond3A_217 : i32
    scf.if %cond3A_218 {
      %run_scoped3A = arith.constant 0 : i32
      "tpu.region"() ({
        %run_scoped3A_357 = tpu.sem_alloc : memref<!tpu.dma_semaphore, #tpu.memory_space<semaphore_mem>>
        %dma_start3A_358 = arith.constant 0 : i32
        %dma_start3A_359 = arith.constant 0 : i32
        %dma_start3A_360 = tpu.memref_slice %arg3[%arg1, %run_scoped3A, %dma_start3A_358, %dma_start3A_359] : memref<16x2x84x128xi32, #tpu.memory_space<hbm>> -> memref<1x1x84x128xi32, #tpu.memory_space<hbm>>
        %dma_start3A_361 = tpu.memref_squeeze %dma_start3A_360 : memref<1x1x84x128xi32, #tpu.memory_space<hbm>> -> memref<84x128xi32, #tpu.memory_space<hbm>>
        %dma_start3A_362 = arith.constant 0 : i32
        %dma_start3A_363 = arith.constant 0 : i32
        %dma_start3A_364 = tpu.memref_slice %arg3[%arg1, %run_scoped3A, %dma_start3A_362, %dma_start3A_363] : memref<16x2x84x128xi32, #tpu.memory_space<hbm>> -> memref<1x1x84x128xi32, #tpu.memory_space<hbm>>
        %dma_start3A_365 = tpu.memref_squeeze %dma_start3A_364 : memref<1x1x84x128xi32, #tpu.memory_space<hbm>> -> memref<84x128xi32, #tpu.memory_space<hbm>>
        tpu.enqueue_dma source(%dma_start3A_365 : memref<84x128xi32, #tpu.memory_space<hbm>>) target(%arg12 : memref<84x128xi32, #tpu.memory_space<vmem>>) target_semaphore(%run_scoped3A_357 : memref<!tpu.dma_semaphore, #tpu.memory_space<semaphore_mem>>)
        %dma_wait3A_366 = arith.constant 0 : i32
        %dma_wait3A_367 = arith.constant 0 : i32
        %dma_wait3A_368 = tpu.memref_slice %arg3[%arg1, %run_scoped3A, %dma_wait3A_366, %dma_wait3A_367] : memref<16x2x84x128xi32, #tpu.memory_space<hbm>> -> memref<1x1x84x128xi32, #tpu.memory_space<hbm>>
        %dma_wait3A_369 = tpu.memref_squeeze %dma_wait3A_368 : memref<1x1x84x128xi32, #tpu.memory_space<hbm>> -> memref<84x128xi32, #tpu.memory_space<hbm>>
        %dma_wait3A_370 = arith.constant 0 : i32
        %dma_wait3A_371 = arith.constant 0 : i32
        %dma_wait3A_372 = tpu.memref_slice %arg3[%arg1, %run_scoped3A, %dma_wait3A_370, %dma_wait3A_371] : memref<16x2x84x128xi32, #tpu.memory_space<hbm>> -> memref<1x1x84x128xi32, #tpu.memory_space<hbm>>
        %dma_wait3A_373 = tpu.memref_squeeze %dma_wait3A_372 : memref<1x1x84x128xi32, #tpu.memory_space<hbm>> -> memref<84x128xi32, #tpu.memory_space<hbm>>
        tpu.wait_dma2 semaphore(%run_scoped3A_357 : memref<!tpu.dma_semaphore, #tpu.memory_space<semaphore_mem>>) src(%dma_wait3A_373 : memref<84x128xi32, #tpu.memory_space<hbm>>) dst(%arg12 : memref<84x128xi32, #tpu.memory_space<vmem>>)
        tpu.yield
      }) : () -> ()
      %run_scoped3A_356 = arith.constant 0 : i32
      "tpu.region"() ({
        %run_scoped3A_357 = tpu.sem_alloc : memref<!tpu.dma_semaphore, #tpu.memory_space<semaphore_mem>>
        %dma_start3A_358 = arith.constant 0 : i32
        %dma_start3A_359 = arith.constant 0 : i32
        %dma_start3A_360 = tpu.memref_slice %arg4[%arg1, %run_scoped3A_356, %dma_start3A_358, %dma_start3A_359] : memref<16x2x84x128xi32, #tpu.memory_space<hbm>> -> memref<1x1x84x128xi32, #tpu.memory_space<hbm>>
        %dma_start3A_361 = tpu.memref_squeeze %dma_start3A_360 : memref<1x1x84x128xi32, #tpu.memory_space<hbm>> -> memref<84x128xi32, #tpu.memory_space<hbm>>
        %dma_start3A_362 = arith.constant 0 : i32
        %dma_start3A_363 = arith.constant 0 : i32
        %dma_start3A_364 = tpu.memref_slice %arg4[%arg1, %run_scoped3A_356, %dma_start3A_362, %dma_start3A_363] : memref<16x2x84x128xi32, #tpu.memory_space<hbm>> -> memref<1x1x84x128xi32, #tpu.memory_space<hbm>>
        %dma_start3A_365 = tpu.memref_squeeze %dma_start3A_364 : memref<1x1x84x128xi32, #tpu.memory_space<hbm>> -> memref<84x128xi32, #tpu.memory_space<hbm>>
        tpu.enqueue_dma source(%dma_start3A_365 : memref<84x128xi32, #tpu.memory_space<hbm>>) target(%arg13 : memref<84x128xi32, #tpu.memory_space<vmem>>) target_semaphore(%run_scoped3A_357 : memref<!tpu.dma_semaphore, #tpu.memory_space<semaphore_mem>>)
        %dma_wait3A_366 = arith.constant 0 : i32
        %dma_wait3A_367 = arith.constant 0 : i32
        %dma_wait3A_368 = tpu.memref_slice %arg4[%arg1, %run_scoped3A_356, %dma_wait3A_366, %dma_wait3A_367] : memref<16x2x84x128xi32, #tpu.memory_space<hbm>> -> memref<1x1x84x128xi32, #tpu.memory_space<hbm>>
        %dma_wait3A_369 = tpu.memref_squeeze %dma_wait3A_368 : memref<1x1x84x128xi32, #tpu.memory_space<hbm>> -> memref<84x128xi32, #tpu.memory_space<hbm>>
        %dma_wait3A_370 = arith.constant 0 : i32
        %dma_wait3A_371 = arith.constant 0 : i32
        %dma_wait3A_372 = tpu.memref_slice %arg4[%arg1, %run_scoped3A_356, %dma_wait3A_370, %dma_wait3A_371] : memref<16x2x84x128xi32, #tpu.memory_space<hbm>> -> memref<1x1x84x128xi32, #tpu.memory_space<hbm>>
        %dma_wait3A_373 = tpu.memref_squeeze %dma_wait3A_372 : memref<1x1x84x128xi32, #tpu.memory_space<hbm>> -> memref<84x128xi32, #tpu.memory_space<hbm>>
        tpu.wait_dma2 semaphore(%run_scoped3A_357 : memref<!tpu.dma_semaphore, #tpu.memory_space<semaphore_mem>>) src(%dma_wait3A_373 : memref<84x128xi32, #tpu.memory_space<hbm>>) dst(%arg13 : memref<84x128xi32, #tpu.memory_space<vmem>>)
        tpu.yield
      }) : () -> ()
    } else {
    }
    %ne3A = arith.constant 0 : i32
    %ne3A_219 = arith.cmpi ne, %arg0, %ne3A : i32
    %convert_element_type3A_220 = arith.extui %ne3A_219 : i1 to i32
    %cond3A_221 = arith.constant 0 : i32
    %cond3A_222 = arith.cmpi ne, %convert_element_type3A_220, %cond3A_221 : i32
    scf.if %cond3A_222 {
      %run_scoped3A = arith.constant 0 : i32
      "tpu.region"() ({
        %run_scoped3A_357 = tpu.sem_alloc : memref<!tpu.dma_semaphore, #tpu.memory_space<semaphore_mem>>
        %dma_start3A_358 = arith.constant 0 : i32
        %dma_start3A_359 = arith.constant 0 : i32
        %dma_start3A_360 = tpu.memref_slice %arg4[%arg1, %run_scoped3A, %dma_start3A_358, %dma_start3A_359] : memref<16x2x84x128xi32, #tpu.memory_space<hbm>> -> memref<1x1x84x128xi32, #tpu.memory_space<hbm>>
        %dma_start3A_361 = tpu.memref_squeeze %dma_start3A_360 : memref<1x1x84x128xi32, #tpu.memory_space<hbm>> -> memref<84x128xi32, #tpu.memory_space<hbm>>
        %dma_start3A_362 = arith.constant 0 : i32
        %dma_start3A_363 = arith.constant 0 : i32
        %dma_start3A_364 = tpu.memref_slice %arg4[%arg1, %run_scoped3A, %dma_start3A_362, %dma_start3A_363] : memref<16x2x84x128xi32, #tpu.memory_space<hbm>> -> memref<1x1x84x128xi32, #tpu.memory_space<hbm>>
        %dma_start3A_365 = tpu.memref_squeeze %dma_start3A_364 : memref<1x1x84x128xi32, #tpu.memory_space<hbm>> -> memref<84x128xi32, #tpu.memory_space<hbm>>
        tpu.enqueue_dma source(%dma_start3A_365 : memref<84x128xi32, #tpu.memory_space<hbm>>) target(%arg12 : memref<84x128xi32, #tpu.memory_space<vmem>>) target_semaphore(%run_scoped3A_357 : memref<!tpu.dma_semaphore, #tpu.memory_space<semaphore_mem>>)
        %dma_wait3A_366 = arith.constant 0 : i32
        %dma_wait3A_367 = arith.constant 0 : i32
        %dma_wait3A_368 = tpu.memref_slice %arg4[%arg1, %run_scoped3A, %dma_wait3A_366, %dma_wait3A_367] : memref<16x2x84x128xi32, #tpu.memory_space<hbm>> -> memref<1x1x84x128xi32, #tpu.memory_space<hbm>>
        %dma_wait3A_369 = tpu.memref_squeeze %dma_wait3A_368 : memref<1x1x84x128xi32, #tpu.memory_space<hbm>> -> memref<84x128xi32, #tpu.memory_space<hbm>>
        %dma_wait3A_370 = arith.constant 0 : i32
        %dma_wait3A_371 = arith.constant 0 : i32
        %dma_wait3A_372 = tpu.memref_slice %arg4[%arg1, %run_scoped3A, %dma_wait3A_370, %dma_wait3A_371] : memref<16x2x84x128xi32, #tpu.memory_space<hbm>> -> memref<1x1x84x128xi32, #tpu.memory_space<hbm>>
        %dma_wait3A_373 = tpu.memref_squeeze %dma_wait3A_372 : memref<1x1x84x128xi32, #tpu.memory_space<hbm>> -> memref<84x128xi32, #tpu.memory_space<hbm>>
        tpu.wait_dma2 semaphore(%run_scoped3A_357 : memref<!tpu.dma_semaphore, #tpu.memory_space<semaphore_mem>>) src(%dma_wait3A_373 : memref<84x128xi32, #tpu.memory_space<hbm>>) dst(%arg12 : memref<84x128xi32, #tpu.memory_space<vmem>>)
        tpu.yield
      }) : () -> ()
      %run_scoped3A_356 = arith.constant 0 : i32
      "tpu.region"() ({
        %run_scoped3A_357 = tpu.sem_alloc : memref<!tpu.dma_semaphore, #tpu.memory_space<semaphore_mem>>
        %dma_start3A_358 = arith.constant 0 : i32
        %dma_start3A_359 = arith.constant 0 : i32
        %dma_start3A_360 = tpu.memref_slice %arg3[%arg1, %run_scoped3A_356, %dma_start3A_358, %dma_start3A_359] : memref<16x2x84x128xi32, #tpu.memory_space<hbm>> -> memref<1x1x84x128xi32, #tpu.memory_space<hbm>>
        %dma_start3A_361 = tpu.memref_squeeze %dma_start3A_360 : memref<1x1x84x128xi32, #tpu.memory_space<hbm>> -> memref<84x128xi32, #tpu.memory_space<hbm>>
        %dma_start3A_362 = arith.constant 0 : i32
        %dma_start3A_363 = arith.constant 0 : i32
        %dma_start3A_364 = tpu.memref_slice %arg3[%arg1, %run_scoped3A_356, %dma_start3A_362, %dma_start3A_363] : memref<16x2x84x128xi32, #tpu.memory_space<hbm>> -> memref<1x1x84x128xi32, #tpu.memory_space<hbm>>
        %dma_start3A_365 = tpu.memref_squeeze %dma_start3A_364 : memref<1x1x84x128xi32, #tpu.memory_space<hbm>> -> memref<84x128xi32, #tpu.memory_space<hbm>>
        tpu.enqueue_dma source(%dma_start3A_365 : memref<84x128xi32, #tpu.memory_space<hbm>>) target(%arg13 : memref<84x128xi32, #tpu.memory_space<vmem>>) target_semaphore(%run_scoped3A_357 : memref<!tpu.dma_semaphore, #tpu.memory_space<semaphore_mem>>)
        %dma_wait3A_366 = arith.constant 0 : i32
        %dma_wait3A_367 = arith.constant 0 : i32
        %dma_wait3A_368 = tpu.memref_slice %arg3[%arg1, %run_scoped3A_356, %dma_wait3A_366, %dma_wait3A_367] : memref<16x2x84x128xi32, #tpu.memory_space<hbm>> -> memref<1x1x84x128xi32, #tpu.memory_space<hbm>>
        %dma_wait3A_369 = tpu.memref_squeeze %dma_wait3A_368 : memref<1x1x84x128xi32, #tpu.memory_space<hbm>> -> memref<84x128xi32, #tpu.memory_space<hbm>>
        %dma_wait3A_370 = arith.constant 0 : i32
        %dma_wait3A_371 = arith.constant 0 : i32
        %dma_wait3A_372 = tpu.memref_slice %arg3[%arg1, %run_scoped3A_356, %dma_wait3A_370, %dma_wait3A_371] : memref<16x2x84x128xi32, #tpu.memory_space<hbm>> -> memref<1x1x84x128xi32, #tpu.memory_space<hbm>>
        %dma_wait3A_373 = tpu.memref_squeeze %dma_wait3A_372 : memref<1x1x84x128xi32, #tpu.memory_space<hbm>> -> memref<84x128xi32, #tpu.memory_space<hbm>>
        tpu.wait_dma2 semaphore(%run_scoped3A_357 : memref<!tpu.dma_semaphore, #tpu.memory_space<semaphore_mem>>) src(%dma_wait3A_373 : memref<84x128xi32, #tpu.memory_space<hbm>>) dst(%arg13 : memref<84x128xi32, #tpu.memory_space<vmem>>)
        tpu.yield
      }) : () -> ()
    } else {
    }
    %dma_start3A = arith.constant 0 : i32
    %dma_start3A_223 = arith.constant 0 : i32
    %dma_start3A_224 = tpu.memref_slice %arg12[%dma_start3A, %dma_start3A_223] : memref<84x128xi32, #tpu.memory_space<vmem>> -> memref<1x128xi32, #tpu.memory_space<vmem>>
    %dma_start3A_225 = tpu.memref_squeeze %dma_start3A_224 : memref<1x128xi32, #tpu.memory_space<vmem>> -> memref<128xi32, #tpu.memory_space<vmem>>
    %dma_start3A_226 = arith.constant 0 : i32
    %dma_start3A_227 = arith.constant 0 : i32
    %dma_start3A_228 = tpu.memref_slice %arg10[%dma_start3A_226, %dma_start3A_227] : memref<10008x128xbf16, #tpu.memory_space<vmem_shared>> -> memref<10008x128xbf16, #tpu.memory_space<vmem_shared>>
    tpu.enqueue_indirect_dma source(%dma_start3A_228 : memref<10008x128xbf16, #tpu.memory_space<vmem_shared>>) target(%arg14 : memref<128x128xbf16, #tpu.memory_space<vmem>>) offsets(%dma_start3A_225 : memref<128xi32, #tpu.memory_space<vmem>>) semaphore(%arg19 : memref<!tpu.dma_semaphore, #tpu.memory_space<semaphore_mem>>)
    %dma_start3A_229 = arith.constant 1 : i32
    %dma_start3A_230 = arith.constant 0 : i32
    %dma_start3A_231 = tpu.memref_slice %arg12[%dma_start3A_229, %dma_start3A_230] : memref<84x128xi32, #tpu.memory_space<vmem>> -> memref<1x128xi32, #tpu.memory_space<vmem>>
    %dma_start3A_232 = tpu.memref_squeeze %dma_start3A_231 : memref<1x128xi32, #tpu.memory_space<vmem>> -> memref<128xi32, #tpu.memory_space<vmem>>
    %dma_start3A_233 = arith.constant 0 : i32
    %dma_start3A_234 = arith.constant 0 : i32
    %dma_start3A_235 = tpu.memref_slice %arg10[%dma_start3A_233, %dma_start3A_234] : memref<10008x128xbf16, #tpu.memory_space<vmem_shared>> -> memref<10008x128xbf16, #tpu.memory_space<vmem_shared>>
    tpu.enqueue_indirect_dma source(%dma_start3A_235 : memref<10008x128xbf16, #tpu.memory_space<vmem_shared>>) target(%arg15 : memref<128x128xbf16, #tpu.memory_space<vmem>>) offsets(%dma_start3A_232 : memref<128xi32, #tpu.memory_space<vmem>>) semaphore(%arg20 : memref<!tpu.dma_semaphore, #tpu.memory_space<semaphore_mem>>)
    %dma_start3A_236 = arith.constant 2 : i32
    %dma_start3A_237 = arith.constant 0 : i32
    %dma_start3A_238 = tpu.memref_slice %arg12[%dma_start3A_236, %dma_start3A_237] : memref<84x128xi32, #tpu.memory_space<vmem>> -> memref<1x128xi32, #tpu.memory_space<vmem>>
    %dma_start3A_239 = tpu.memref_squeeze %dma_start3A_238 : memref<1x128xi32, #tpu.memory_space<vmem>> -> memref<128xi32, #tpu.memory_space<vmem>>
    %dma_start3A_240 = arith.constant 0 : i32
    %dma_start3A_241 = arith.constant 0 : i32
    %dma_start3A_242 = tpu.memref_slice %arg10[%dma_start3A_240, %dma_start3A_241] : memref<10008x128xbf16, #tpu.memory_space<vmem_shared>> -> memref<10008x128xbf16, #tpu.memory_space<vmem_shared>>
    tpu.enqueue_indirect_dma source(%dma_start3A_242 : memref<10008x128xbf16, #tpu.memory_space<vmem_shared>>) target(%arg16 : memref<128x128xbf16, #tpu.memory_space<vmem>>) offsets(%dma_start3A_239 : memref<128xi32, #tpu.memory_space<vmem>>) semaphore(%arg21 : memref<!tpu.dma_semaphore, #tpu.memory_space<semaphore_mem>>)
    %scan3A_243 = arith.constant 0 : i32
    %scan3A_244 = arith.constant 0 : i32
    %scan3A_245 = arith.constant 28 : i32
    %scan3A_246 = arith.addi %scan3A_244, %scan3A_245 : i32
    %scan3A_247 = arith.constant 1 : i32
    scf.for %scan3A_356 = %scan3A_244 to %scan3A_246 step %scan3A_247  : i32 {
      %mul3A_357 = arith.constant 3 : i32
      %mul3A_358 = arith.muli %mul3A_357, %scan3A_356 : i32
      %add3A = arith.constant 0 : i32
      %add3A_359 = arith.addi %mul3A_358, %add3A : i32
      %dma_wait3A_360 = arith.constant 0 : i32
      %dma_wait3A_361 = arith.constant 0 : i32
      %dma_wait3A_362 = tpu.memref_slice %arg12[%dma_wait3A_360, %dma_wait3A_361] : memref<84x128xi32, #tpu.memory_space<vmem>> -> memref<1x128xi32, #tpu.memory_space<vmem>>
      %dma_wait3A_363 = tpu.memref_squeeze %dma_wait3A_362 : memref<1x128xi32, #tpu.memory_space<vmem>> -> memref<128xi32, #tpu.memory_space<vmem>>
      %dma_wait3A_364 = arith.constant 0 : i32
      %dma_wait3A_365 = arith.constant 0 : i32
      %dma_wait3A_366 = tpu.memref_slice %arg2[%dma_wait3A_364, %dma_wait3A_365] : memref<10000x128xbf16, #tpu.memory_space<hbm>> -> memref<10000x128xbf16, #tpu.memory_space<hbm>>
      tpu.wait_indirect_dma semaphore(%arg19 : memref<!tpu.dma_semaphore, #tpu.memory_space<semaphore_mem>>) src(%dma_wait3A_366 : memref<10000x128xbf16, #tpu.memory_space<hbm>>) dst(%arg14 : memref<128x128xbf16, #tpu.memory_space<vmem>>)
      %dma_start3A_367 = arith.constant 0 : i32
      %dma_start3A_368 = tpu.memref_slice %arg13[%add3A_359, %dma_start3A_367] : memref<84x128xi32, #tpu.memory_space<vmem>> -> memref<1x128xi32, #tpu.memory_space<vmem>>
      %dma_start3A_369 = tpu.memref_squeeze %dma_start3A_368 : memref<1x128xi32, #tpu.memory_space<vmem>> -> memref<128xi32, #tpu.memory_space<vmem>>
      %dma_start3A_370 = arith.constant 0 : i32
      %dma_start3A_371 = arith.constant 0 : i32
      %dma_start3A_372 = tpu.memref_slice %arg9[%dma_start3A_370, %dma_start3A_371] : memref<10240x128xbf16, #tpu.memory_space<vmem_shared>> -> memref<10240x128xbf16, #tpu.memory_space<vmem_shared>>
      tpu.enqueue_indirect_dma source(%arg14 : memref<128x128xbf16, #tpu.memory_space<vmem>>) target(%dma_start3A_372 : memref<10240x128xbf16, #tpu.memory_space<vmem_shared>>) offsets(%dma_start3A_369 : memref<128xi32, #tpu.memory_space<vmem>>) semaphore(%arg22 : memref<!tpu.dma_semaphore, #tpu.memory_space<semaphore_mem>>) {add = true}
      %dma_start3A_373 = arith.constant 0 : i32
      %dma_start3A_374 = tpu.memref_slice %arg13[%add3A_359, %dma_start3A_373] : memref<84x128xi32, #tpu.memory_space<vmem>> -> memref<1x128xi32, #tpu.memory_space<vmem>>
      %dma_start3A_375 = tpu.memref_squeeze %dma_start3A_374 : memref<1x128xi32, #tpu.memory_space<vmem>> -> memref<128xi32, #tpu.memory_space<vmem>>
      %dma_start3A_376 = arith.constant 0 : i32
      %dma_start3A_377 = tpu.memref_slice %arg11[%dma_start3A_376] : memref<10240xf32, #tpu.memory_space<vmem_shared>> -> memref<10240xf32, #tpu.memory_space<vmem_shared>>
      tpu.enqueue_indirect_dma source(%arg17 : memref<128xf32, #tpu.memory_space<vmem>>) target(%dma_start3A_377 : memref<10240xf32, #tpu.memory_space<vmem_shared>>) offsets(%dma_start3A_375 : memref<128xi32, #tpu.memory_space<vmem>>) semaphore(%arg25 : memref<!tpu.dma_semaphore, #tpu.memory_space<semaphore_mem>>) {add = true}
      %lt3A_378 = arith.constant 27 : i32
      %lt3A_379 = arith.cmpi slt, %scan3A_356, %lt3A_378 : i32
      %convert_element_type3A_380 = arith.extui %lt3A_379 : i1 to i32
      %cond3A_381 = arith.constant 0 : i32
      %cond3A_382 = arith.cmpi ne, %convert_element_type3A_380, %cond3A_381 : i32
      scf.if %cond3A_382 {
        %dma_wait3A_437 = arith.constant 0 : i32
        %dma_wait3A_438 = arith.constant 0 : i32
        %dma_wait3A_439 = tpu.memref_slice %arg12[%dma_wait3A_437, %dma_wait3A_438] : memref<84x128xi32, #tpu.memory_space<vmem>> -> memref<1x128xi32, #tpu.memory_space<vmem>>
        %dma_wait3A_440 = tpu.memref_squeeze %dma_wait3A_439 : memref<1x128xi32, #tpu.memory_space<vmem>> -> memref<128xi32, #tpu.memory_space<vmem>>
        %dma_wait3A_441 = arith.constant 0 : i32
        %dma_wait3A_442 = arith.constant 0 : i32
        %dma_wait3A_443 = tpu.memref_slice %arg2[%dma_wait3A_441, %dma_wait3A_442] : memref<10000x128xbf16, #tpu.memory_space<hbm>> -> memref<10000x128xbf16, #tpu.memory_space<hbm>>
        tpu.wait_indirect_dma semaphore(%arg22 : memref<!tpu.dma_semaphore, #tpu.memory_space<semaphore_mem>>) src(%dma_wait3A_443 : memref<10000x128xbf16, #tpu.memory_space<hbm>>) dst(%arg14 : memref<128x128xbf16, #tpu.memory_space<vmem>>)
        %add3A_444 = arith.constant 3 : i32
        %add3A_445 = arith.addi %add3A_359, %add3A_444 : i32
        %dma_start3A_446 = arith.constant 0 : i32
        %dma_start3A_447 = tpu.memref_slice %arg12[%add3A_445, %dma_start3A_446] : memref<84x128xi32, #tpu.memory_space<vmem>> -> memref<1x128xi32, #tpu.memory_space<vmem>>
        %dma_start3A_448 = tpu.memref_squeeze %dma_start3A_447 : memref<1x128xi32, #tpu.memory_space<vmem>> -> memref<128xi32, #tpu.memory_space<vmem>>
        %dma_start3A_449 = arith.constant 0 : i32
        %dma_start3A_450 = arith.constant 0 : i32
        %dma_start3A_451 = tpu.memref_slice %arg10[%dma_start3A_449, %dma_start3A_450] : memref<10008x128xbf16, #tpu.memory_space<vmem_shared>> -> memref<10008x128xbf16, #tpu.memory_space<vmem_shared>>
        tpu.enqueue_indirect_dma source(%dma_start3A_451 : memref<10008x128xbf16, #tpu.memory_space<vmem_shared>>) target(%arg14 : memref<128x128xbf16, #tpu.memory_space<vmem>>) offsets(%dma_start3A_448 : memref<128xi32, #tpu.memory_space<vmem>>) semaphore(%arg19 : memref<!tpu.dma_semaphore, #tpu.memory_space<semaphore_mem>>)
      } else {
      }
      %mul3A_383 = arith.constant 3 : i32
      %mul3A_384 = arith.muli %mul3A_383, %scan3A_356 : i32
      %add3A_385 = arith.constant 1 : i32
      %add3A_386 = arith.addi %mul3A_384, %add3A_385 : i32
      %dma_wait3A_387 = arith.constant 0 : i32
      %dma_wait3A_388 = arith.constant 0 : i32
      %dma_wait3A_389 = tpu.memref_slice %arg12[%dma_wait3A_387, %dma_wait3A_388] : memref<84x128xi32, #tpu.memory_space<vmem>> -> memref<1x128xi32, #tpu.memory_space<vmem>>
      %dma_wait3A_390 = tpu.memref_squeeze %dma_wait3A_389 : memref<1x128xi32, #tpu.memory_space<vmem>> -> memref<128xi32, #tpu.memory_space<vmem>>
      %dma_wait3A_391 = arith.constant 0 : i32
      %dma_wait3A_392 = arith.constant 0 : i32
      %dma_wait3A_393 = tpu.memref_slice %arg2[%dma_wait3A_391, %dma_wait3A_392] : memref<10000x128xbf16, #tpu.memory_space<hbm>> -> memref<10000x128xbf16, #tpu.memory_space<hbm>>
      tpu.wait_indirect_dma semaphore(%arg20 : memref<!tpu.dma_semaphore, #tpu.memory_space<semaphore_mem>>) src(%dma_wait3A_393 : memref<10000x128xbf16, #tpu.memory_space<hbm>>) dst(%arg15 : memref<128x128xbf16, #tpu.memory_space<vmem>>)
      %dma_start3A_394 = arith.constant 0 : i32
      %dma_start3A_395 = tpu.memref_slice %arg13[%add3A_386, %dma_start3A_394] : memref<84x128xi32, #tpu.memory_space<vmem>> -> memref<1x128xi32, #tpu.memory_space<vmem>>
      %dma_start3A_396 = tpu.memref_squeeze %dma_start3A_395 : memref<1x128xi32, #tpu.memory_space<vmem>> -> memref<128xi32, #tpu.memory_space<vmem>>
      %dma_start3A_397 = arith.constant 0 : i32
      %dma_start3A_398 = arith.constant 0 : i32
      %dma_start3A_399 = tpu.memref_slice %arg9[%dma_start3A_397, %dma_start3A_398] : memref<10240x128xbf16, #tpu.memory_space<vmem_shared>> -> memref<10240x128xbf16, #tpu.memory_space<vmem_shared>>
      tpu.enqueue_indirect_dma source(%arg15 : memref<128x128xbf16, #tpu.memory_space<vmem>>) target(%dma_start3A_399 : memref<10240x128xbf16, #tpu.memory_space<vmem_shared>>) offsets(%dma_start3A_396 : memref<128xi32, #tpu.memory_space<vmem>>) semaphore(%arg23 : memref<!tpu.dma_semaphore, #tpu.memory_space<semaphore_mem>>) {add = true}
      %dma_start3A_400 = arith.constant 0 : i32
      %dma_start3A_401 = tpu.memref_slice %arg13[%add3A_386, %dma_start3A_400] : memref<84x128xi32, #tpu.memory_space<vmem>> -> memref<1x128xi32, #tpu.memory_space<vmem>>
      %dma_start3A_402 = tpu.memref_squeeze %dma_start3A_401 : memref<1x128xi32, #tpu.memory_space<vmem>> -> memref<128xi32, #tpu.memory_space<vmem>>
      %dma_start3A_403 = arith.constant 0 : i32
      %dma_start3A_404 = tpu.memref_slice %arg11[%dma_start3A_403] : memref<10240xf32, #tpu.memory_space<vmem_shared>> -> memref<10240xf32, #tpu.memory_space<vmem_shared>>
      tpu.enqueue_indirect_dma source(%arg17 : memref<128xf32, #tpu.memory_space<vmem>>) target(%dma_start3A_404 : memref<10240xf32, #tpu.memory_space<vmem_shared>>) offsets(%dma_start3A_402 : memref<128xi32, #tpu.memory_space<vmem>>) semaphore(%arg25 : memref<!tpu.dma_semaphore, #tpu.memory_space<semaphore_mem>>) {add = true}
      %lt3A_405 = arith.constant 27 : i32
      %lt3A_406 = arith.cmpi slt, %scan3A_356, %lt3A_405 : i32
      %convert_element_type3A_407 = arith.extui %lt3A_406 : i1 to i32
      %cond3A_408 = arith.constant 0 : i32
      %cond3A_409 = arith.cmpi ne, %convert_element_type3A_407, %cond3A_408 : i32
      scf.if %cond3A_409 {
        %dma_wait3A_437 = arith.constant 0 : i32
        %dma_wait3A_438 = arith.constant 0 : i32
        %dma_wait3A_439 = tpu.memref_slice %arg12[%dma_wait3A_437, %dma_wait3A_438] : memref<84x128xi32, #tpu.memory_space<vmem>> -> memref<1x128xi32, #tpu.memory_space<vmem>>
        %dma_wait3A_440 = tpu.memref_squeeze %dma_wait3A_439 : memref<1x128xi32, #tpu.memory_space<vmem>> -> memref<128xi32, #tpu.memory_space<vmem>>
        %dma_wait3A_441 = arith.constant 0 : i32
        %dma_wait3A_442 = arith.constant 0 : i32
        %dma_wait3A_443 = tpu.memref_slice %arg2[%dma_wait3A_441, %dma_wait3A_442] : memref<10000x128xbf16, #tpu.memory_space<hbm>> -> memref<10000x128xbf16, #tpu.memory_space<hbm>>
        tpu.wait_indirect_dma semaphore(%arg23 : memref<!tpu.dma_semaphore, #tpu.memory_space<semaphore_mem>>) src(%dma_wait3A_443 : memref<10000x128xbf16, #tpu.memory_space<hbm>>) dst(%arg15 : memref<128x128xbf16, #tpu.memory_space<vmem>>)
        %add3A_444 = arith.constant 3 : i32
        %add3A_445 = arith.addi %add3A_386, %add3A_444 : i32
        %dma_start3A_446 = arith.constant 0 : i32
        %dma_start3A_447 = tpu.memref_slice %arg12[%add3A_445, %dma_start3A_446] : memref<84x128xi32, #tpu.memory_space<vmem>> -> memref<1x128xi32, #tpu.memory_space<vmem>>
        %dma_start3A_448 = tpu.memref_squeeze %dma_start3A_447 : memref<1x128xi32, #tpu.memory_space<vmem>> -> memref<128xi32, #tpu.memory_space<vmem>>
        %dma_start3A_449 = arith.constant 0 : i32
        %dma_start3A_450 = arith.constant 0 : i32
        %dma_start3A_451 = tpu.memref_slice %arg10[%dma_start3A_449, %dma_start3A_450] : memref<10008x128xbf16, #tpu.memory_space<vmem_shared>> -> memref<10008x128xbf16, #tpu.memory_space<vmem_shared>>
        tpu.enqueue_indirect_dma source(%dma_start3A_451 : memref<10008x128xbf16, #tpu.memory_space<vmem_shared>>) target(%arg15 : memref<128x128xbf16, #tpu.memory_space<vmem>>) offsets(%dma_start3A_448 : memref<128xi32, #tpu.memory_space<vmem>>) semaphore(%arg20 : memref<!tpu.dma_semaphore, #tpu.memory_space<semaphore_mem>>)
      } else {
      }
      %mul3A_410 = arith.constant 3 : i32
      %mul3A_411 = arith.muli %mul3A_410, %scan3A_356 : i32
      %add3A_412 = arith.constant 2 : i32
      %add3A_413 = arith.addi %mul3A_411, %add3A_412 : i32
      %dma_wait3A_414 = arith.constant 0 : i32
      %dma_wait3A_415 = arith.constant 0 : i32
      %dma_wait3A_416 = tpu.memref_slice %arg12[%dma_wait3A_414, %dma_wait3A_415] : memref<84x128xi32, #tpu.memory_space<vmem>> -> memref<1x128xi32, #tpu.memory_space<vmem>>
      %dma_wait3A_417 = tpu.memref_squeeze %dma_wait3A_416 : memref<1x128xi32, #tpu.memory_space<vmem>> -> memref<128xi32, #tpu.memory_space<vmem>>
      %dma_wait3A_418 = arith.constant 0 : i32
      %dma_wait3A_419 = arith.constant 0 : i32
      %dma_wait3A_420 = tpu.memref_slice %arg2[%dma_wait3A_418, %dma_wait3A_419] : memref<10000x128xbf16, #tpu.memory_space<hbm>> -> memref<10000x128xbf16, #tpu.memory_space<hbm>>
      tpu.wait_indirect_dma semaphore(%arg21 : memref<!tpu.dma_semaphore, #tpu.memory_space<semaphore_mem>>) src(%dma_wait3A_420 : memref<10000x128xbf16, #tpu.memory_space<hbm>>) dst(%arg16 : memref<128x128xbf16, #tpu.memory_space<vmem>>)
      %dma_start3A_421 = arith.constant 0 : i32
      %dma_start3A_422 = tpu.memref_slice %arg13[%add3A_413, %dma_start3A_421] : memref<84x128xi32, #tpu.memory_space<vmem>> -> memref<1x128xi32, #tpu.memory_space<vmem>>
      %dma_start3A_423 = tpu.memref_squeeze %dma_start3A_422 : memref<1x128xi32, #tpu.memory_space<vmem>> -> memref<128xi32, #tpu.memory_space<vmem>>
      %dma_start3A_424 = arith.constant 0 : i32
      %dma_start3A_425 = arith.constant 0 : i32
      %dma_start3A_426 = tpu.memref_slice %arg9[%dma_start3A_424, %dma_start3A_425] : memref<10240x128xbf16, #tpu.memory_space<vmem_shared>> -> memref<10240x128xbf16, #tpu.memory_space<vmem_shared>>
      tpu.enqueue_indirect_dma source(%arg16 : memref<128x128xbf16, #tpu.memory_space<vmem>>) target(%dma_start3A_426 : memref<10240x128xbf16, #tpu.memory_space<vmem_shared>>) offsets(%dma_start3A_423 : memref<128xi32, #tpu.memory_space<vmem>>) semaphore(%arg24 : memref<!tpu.dma_semaphore, #tpu.memory_space<semaphore_mem>>) {add = true}
      %dma_start3A_427 = arith.constant 0 : i32
      %dma_start3A_428 = tpu.memref_slice %arg13[%add3A_413, %dma_start3A_427] : memref<84x128xi32, #tpu.memory_space<vmem>> -> memref<1x128xi32, #tpu.memory_space<vmem>>
      %dma_start3A_429 = tpu.memref_squeeze %dma_start3A_428 : memref<1x128xi32, #tpu.memory_space<vmem>> -> memref<128xi32, #tpu.memory_space<vmem>>
      %dma_start3A_430 = arith.constant 0 : i32
      %dma_start3A_431 = tpu.memref_slice %arg11[%dma_start3A_430] : memref<10240xf32, #tpu.memory_space<vmem_shared>> -> memref<10240xf32, #tpu.memory_space<vmem_shared>>
      tpu.enqueue_indirect_dma source(%arg17 : memref<128xf32, #tpu.memory_space<vmem>>) target(%dma_start3A_431 : memref<10240xf32, #tpu.memory_space<vmem_shared>>) offsets(%dma_start3A_429 : memref<128xi32, #tpu.memory_space<vmem>>) semaphore(%arg25 : memref<!tpu.dma_semaphore, #tpu.memory_space<semaphore_mem>>) {add = true}
      %lt3A_432 = arith.constant 27 : i32
      %lt3A_433 = arith.cmpi slt, %scan3A_356, %lt3A_432 : i32
      %convert_element_type3A_434 = arith.extui %lt3A_433 : i1 to i32
      %cond3A_435 = arith.constant 0 : i32
      %cond3A_436 = arith.cmpi ne, %convert_element_type3A_434, %cond3A_435 : i32
      scf.if %cond3A_436 {
        %dma_wait3A_437 = arith.constant 0 : i32
        %dma_wait3A_438 = arith.constant 0 : i32
        %dma_wait3A_439 = tpu.memref_slice %arg12[%dma_wait3A_437, %dma_wait3A_438] : memref<84x128xi32, #tpu.memory_space<vmem>> -> memref<1x128xi32, #tpu.memory_space<vmem>>
        %dma_wait3A_440 = tpu.memref_squeeze %dma_wait3A_439 : memref<1x128xi32, #tpu.memory_space<vmem>> -> memref<128xi32, #tpu.memory_space<vmem>>
        %dma_wait3A_441 = arith.constant 0 : i32
        %dma_wait3A_442 = arith.constant 0 : i32
        %dma_wait3A_443 = tpu.memref_slice %arg2[%dma_wait3A_441, %dma_wait3A_442] : memref<10000x128xbf16, #tpu.memory_space<hbm>> -> memref<10000x128xbf16, #tpu.memory_space<hbm>>
        tpu.wait_indirect_dma semaphore(%arg24 : memref<!tpu.dma_semaphore, #tpu.memory_space<semaphore_mem>>) src(%dma_wait3A_443 : memref<10000x128xbf16, #tpu.memory_space<hbm>>) dst(%arg16 : memref<128x128xbf16, #tpu.memory_space<vmem>>)
        %add3A_444 = arith.constant 3 : i32
        %add3A_445 = arith.addi %add3A_413, %add3A_444 : i32
        %dma_start3A_446 = arith.constant 0 : i32
        %dma_start3A_447 = tpu.memref_slice %arg12[%add3A_445, %dma_start3A_446] : memref<84x128xi32, #tpu.memory_space<vmem>> -> memref<1x128xi32, #tpu.memory_space<vmem>>
        %dma_start3A_448 = tpu.memref_squeeze %dma_start3A_447 : memref<1x128xi32, #tpu.memory_space<vmem>> -> memref<128xi32, #tpu.memory_space<vmem>>
        %dma_start3A_449 = arith.constant 0 : i32
        %dma_start3A_450 = arith.constant 0 : i32
        %dma_start3A_451 = tpu.memref_slice %arg10[%dma_start3A_449, %dma_start3A_450] : memref<10008x128xbf16, #tpu.memory_space<vmem_shared>> -> memref<10008x128xbf16, #tpu.memory_space<vmem_shared>>
        tpu.enqueue_indirect_dma source(%dma_start3A_451 : memref<10008x128xbf16, #tpu.memory_space<vmem_shared>>) target(%arg16 : memref<128x128xbf16, #tpu.memory_space<vmem>>) offsets(%dma_start3A_448 : memref<128xi32, #tpu.memory_space<vmem>>) semaphore(%arg21 : memref<!tpu.dma_semaphore, #tpu.memory_space<semaphore_mem>>)
      } else {
      }
    }
    %scan3A_248 = arith.constant 28 : i32
    %dma_wait3A = arith.constant 0 : i32
    %dma_wait3A_249 = arith.constant 0 : i32
    %dma_wait3A_250 = tpu.memref_slice %arg12[%dma_wait3A, %dma_wait3A_249] : memref<84x128xi32, #tpu.memory_space<vmem>> -> memref<1x128xi32, #tpu.memory_space<vmem>>
    %dma_wait3A_251 = tpu.memref_squeeze %dma_wait3A_250 : memref<1x128xi32, #tpu.memory_space<vmem>> -> memref<128xi32, #tpu.memory_space<vmem>>
    %dma_wait3A_252 = arith.constant 0 : i32
    %dma_wait3A_253 = arith.constant 0 : i32
    %dma_wait3A_254 = tpu.memref_slice %arg2[%dma_wait3A_252, %dma_wait3A_253] : memref<10000x128xbf16, #tpu.memory_space<hbm>> -> memref<10000x128xbf16, #tpu.memory_space<hbm>>
    tpu.wait_indirect_dma semaphore(%arg22 : memref<!tpu.dma_semaphore, #tpu.memory_space<semaphore_mem>>) src(%dma_wait3A_254 : memref<10000x128xbf16, #tpu.memory_space<hbm>>) dst(%arg14 : memref<128x128xbf16, #tpu.memory_space<vmem>>)
    %dma_wait3A_255 = arith.constant 0 : i32
    %dma_wait3A_256 = arith.constant 0 : i32
    %dma_wait3A_257 = tpu.memref_slice %arg12[%dma_wait3A_255, %dma_wait3A_256] : memref<84x128xi32, #tpu.memory_space<vmem>> -> memref<1x128xi32, #tpu.memory_space<vmem>>
    %dma_wait3A_258 = tpu.memref_squeeze %dma_wait3A_257 : memref<1x128xi32, #tpu.memory_space<vmem>> -> memref<128xi32, #tpu.memory_space<vmem>>
    %dma_wait3A_259 = arith.constant 0 : i32
    %dma_wait3A_260 = arith.constant 0 : i32
    %dma_wait3A_261 = tpu.memref_slice %arg2[%dma_wait3A_259, %dma_wait3A_260] : memref<10000x128xbf16, #tpu.memory_space<hbm>> -> memref<10000x128xbf16, #tpu.memory_space<hbm>>
    tpu.wait_indirect_dma semaphore(%arg23 : memref<!tpu.dma_semaphore, #tpu.memory_space<semaphore_mem>>) src(%dma_wait3A_261 : memref<10000x128xbf16, #tpu.memory_space<hbm>>) dst(%arg15 : memref<128x128xbf16, #tpu.memory_space<vmem>>)
    %dma_wait3A_262 = arith.constant 0 : i32
    %dma_wait3A_263 = arith.constant 0 : i32
    %dma_wait3A_264 = tpu.memref_slice %arg12[%dma_wait3A_262, %dma_wait3A_263] : memref<84x128xi32, #tpu.memory_space<vmem>> -> memref<1x128xi32, #tpu.memory_space<vmem>>
    %dma_wait3A_265 = tpu.memref_squeeze %dma_wait3A_264 : memref<1x128xi32, #tpu.memory_space<vmem>> -> memref<128xi32, #tpu.memory_space<vmem>>
    %dma_wait3A_266 = arith.constant 0 : i32
    %dma_wait3A_267 = arith.constant 0 : i32
    %dma_wait3A_268 = tpu.memref_slice %arg2[%dma_wait3A_266, %dma_wait3A_267] : memref<10000x128xbf16, #tpu.memory_space<hbm>> -> memref<10000x128xbf16, #tpu.memory_space<hbm>>
    tpu.wait_indirect_dma semaphore(%arg24 : memref<!tpu.dma_semaphore, #tpu.memory_space<semaphore_mem>>) src(%dma_wait3A_268 : memref<10000x128xbf16, #tpu.memory_space<hbm>>) dst(%arg16 : memref<128x128xbf16, #tpu.memory_space<vmem>>)
    %dma_wait3A_269 = arith.constant 0 : i32
    %dma_wait3A_270 = arith.constant 0 : i32
    %dma_wait3A_271 = arith.constant 0 : i32
    %dma_wait3A_272 = tpu.memref_slice %arg3[%arg1, %dma_wait3A_269, %dma_wait3A_270, %dma_wait3A_271] : memref<16x2x84x128xi32, #tpu.memory_space<hbm>> -> memref<1x1x84x128xi32, #tpu.memory_space<hbm>>
    %dma_wait3A_273 = tpu.memref_squeeze %dma_wait3A_272 : memref<1x1x84x128xi32, #tpu.memory_space<hbm>> -> memref<84x128xi32, #tpu.memory_space<hbm>>
    %dma_wait3A_274 = arith.constant 0 : i32
    %dma_wait3A_275 = arith.constant 0 : i32
    %dma_wait3A_276 = tpu.memref_slice %arg3[%arg1, %dma_wait3A_269, %dma_wait3A_274, %dma_wait3A_275] : memref<16x2x84x128xi32, #tpu.memory_space<hbm>> -> memref<1x1x84x128xi32, #tpu.memory_space<hbm>>
    %dma_wait3A_277 = tpu.memref_squeeze %dma_wait3A_276 : memref<1x1x84x128xi32, #tpu.memory_space<hbm>> -> memref<84x128xi32, #tpu.memory_space<hbm>>
    tpu.wait_dma2 semaphore(%arg25 : memref<!tpu.dma_semaphore, #tpu.memory_space<semaphore_mem>>) src(%dma_wait3A_277 : memref<84x128xi32, #tpu.memory_space<hbm>>) dst(%arg12 : memref<84x128xi32, #tpu.memory_space<vmem>>)
    %eq3A_278 = arith.constant 0 : i32
    %eq3A_279 = arith.cmpi eq, %arg0, %eq3A_278 : i32
    %convert_element_type3A_280 = arith.extui %eq3A_279 : i1 to i32
    %cond3A_281 = arith.constant 0 : i32
    %cond3A_282 = arith.cmpi ne, %convert_element_type3A_280, %cond3A_281 : i32
    scf.if %cond3A_282 {
      %run_scoped3A = arith.constant 1 : i32
      "tpu.region"() ({
        %run_scoped3A_357 = tpu.sem_alloc : memref<!tpu.dma_semaphore, #tpu.memory_space<semaphore_mem>>
        %dma_start3A_358 = arith.constant 0 : i32
        %dma_start3A_359 = arith.constant 0 : i32
        %dma_start3A_360 = tpu.memref_slice %arg3[%arg1, %run_scoped3A, %dma_start3A_358, %dma_start3A_359] : memref<16x2x84x128xi32, #tpu.memory_space<hbm>> -> memref<1x1x84x128xi32, #tpu.memory_space<hbm>>
        %dma_start3A_361 = tpu.memref_squeeze %dma_start3A_360 : memref<1x1x84x128xi32, #tpu.memory_space<hbm>> -> memref<84x128xi32, #tpu.memory_space<hbm>>
        %dma_start3A_362 = arith.constant 0 : i32
        %dma_start3A_363 = arith.constant 0 : i32
        %dma_start3A_364 = tpu.memref_slice %arg3[%arg1, %run_scoped3A, %dma_start3A_362, %dma_start3A_363] : memref<16x2x84x128xi32, #tpu.memory_space<hbm>> -> memref<1x1x84x128xi32, #tpu.memory_space<hbm>>
        %dma_start3A_365 = tpu.memref_squeeze %dma_start3A_364 : memref<1x1x84x128xi32, #tpu.memory_space<hbm>> -> memref<84x128xi32, #tpu.memory_space<hbm>>
        tpu.enqueue_dma source(%dma_start3A_365 : memref<84x128xi32, #tpu.memory_space<hbm>>) target(%arg12 : memref<84x128xi32, #tpu.memory_space<vmem>>) target_semaphore(%run_scoped3A_357 : memref<!tpu.dma_semaphore, #tpu.memory_space<semaphore_mem>>)
        %dma_wait3A_366 = arith.constant 0 : i32
        %dma_wait3A_367 = arith.constant 0 : i32
        %dma_wait3A_368 = tpu.memref_slice %arg3[%arg1, %run_scoped3A, %dma_wait3A_366, %dma_wait3A_367] : memref<16x2x84x128xi32, #tpu.memory_space<hbm>> -> memref<1x1x84x128xi32, #tpu.memory_space<hbm>>
        %dma_wait3A_369 = tpu.memref_squeeze %dma_wait3A_368 : memref<1x1x84x128xi32, #tpu.memory_space<hbm>> -> memref<84x128xi32, #tpu.memory_space<hbm>>
        %dma_wait3A_370 = arith.constant 0 : i32
        %dma_wait3A_371 = arith.constant 0 : i32
        %dma_wait3A_372 = tpu.memref_slice %arg3[%arg1, %run_scoped3A, %dma_wait3A_370, %dma_wait3A_371] : memref<16x2x84x128xi32, #tpu.memory_space<hbm>> -> memref<1x1x84x128xi32, #tpu.memory_space<hbm>>
        %dma_wait3A_373 = tpu.memref_squeeze %dma_wait3A_372 : memref<1x1x84x128xi32, #tpu.memory_space<hbm>> -> memref<84x128xi32, #tpu.memory_space<hbm>>
        tpu.wait_dma2 semaphore(%run_scoped3A_357 : memref<!tpu.dma_semaphore, #tpu.memory_space<semaphore_mem>>) src(%dma_wait3A_373 : memref<84x128xi32, #tpu.memory_space<hbm>>) dst(%arg12 : memref<84x128xi32, #tpu.memory_space<vmem>>)
        tpu.yield
      }) : () -> ()
      %run_scoped3A_356 = arith.constant 1 : i32
      "tpu.region"() ({
        %run_scoped3A_357 = tpu.sem_alloc : memref<!tpu.dma_semaphore, #tpu.memory_space<semaphore_mem>>
        %dma_start3A_358 = arith.constant 0 : i32
        %dma_start3A_359 = arith.constant 0 : i32
        %dma_start3A_360 = tpu.memref_slice %arg4[%arg1, %run_scoped3A_356, %dma_start3A_358, %dma_start3A_359] : memref<16x2x84x128xi32, #tpu.memory_space<hbm>> -> memref<1x1x84x128xi32, #tpu.memory_space<hbm>>
        %dma_start3A_361 = tpu.memref_squeeze %dma_start3A_360 : memref<1x1x84x128xi32, #tpu.memory_space<hbm>> -> memref<84x128xi32, #tpu.memory_space<hbm>>
        %dma_start3A_362 = arith.constant 0 : i32
        %dma_start3A_363 = arith.constant 0 : i32
        %dma_start3A_364 = tpu.memref_slice %arg4[%arg1, %run_scoped3A_356, %dma_start3A_362, %dma_start3A_363] : memref<16x2x84x128xi32, #tpu.memory_space<hbm>> -> memref<1x1x84x128xi32, #tpu.memory_space<hbm>>
        %dma_start3A_365 = tpu.memref_squeeze %dma_start3A_364 : memref<1x1x84x128xi32, #tpu.memory_space<hbm>> -> memref<84x128xi32, #tpu.memory_space<hbm>>
        tpu.enqueue_dma source(%dma_start3A_365 : memref<84x128xi32, #tpu.memory_space<hbm>>) target(%arg13 : memref<84x128xi32, #tpu.memory_space<vmem>>) target_semaphore(%run_scoped3A_357 : memref<!tpu.dma_semaphore, #tpu.memory_space<semaphore_mem>>)
        %dma_wait3A_366 = arith.constant 0 : i32
        %dma_wait3A_367 = arith.constant 0 : i32
        %dma_wait3A_368 = tpu.memref_slice %arg4[%arg1, %run_scoped3A_356, %dma_wait3A_366, %dma_wait3A_367] : memref<16x2x84x128xi32, #tpu.memory_space<hbm>> -> memref<1x1x84x128xi32, #tpu.memory_space<hbm>>
        %dma_wait3A_369 = tpu.memref_squeeze %dma_wait3A_368 : memref<1x1x84x128xi32, #tpu.memory_space<hbm>> -> memref<84x128xi32, #tpu.memory_space<hbm>>
        %dma_wait3A_370 = arith.constant 0 : i32
        %dma_wait3A_371 = arith.constant 0 : i32
        %dma_wait3A_372 = tpu.memref_slice %arg4[%arg1, %run_scoped3A_356, %dma_wait3A_370, %dma_wait3A_371] : memref<16x2x84x128xi32, #tpu.memory_space<hbm>> -> memref<1x1x84x128xi32, #tpu.memory_space<hbm>>
        %dma_wait3A_373 = tpu.memref_squeeze %dma_wait3A_372 : memref<1x1x84x128xi32, #tpu.memory_space<hbm>> -> memref<84x128xi32, #tpu.memory_space<hbm>>
        tpu.wait_dma2 semaphore(%run_scoped3A_357 : memref<!tpu.dma_semaphore, #tpu.memory_space<semaphore_mem>>) src(%dma_wait3A_373 : memref<84x128xi32, #tpu.memory_space<hbm>>) dst(%arg13 : memref<84x128xi32, #tpu.memory_space<vmem>>)
        tpu.yield
      }) : () -> ()
    } else {
    }
    %ne3A_283 = arith.constant 0 : i32
    %ne3A_284 = arith.cmpi ne, %arg0, %ne3A_283 : i32
    %convert_element_type3A_285 = arith.extui %ne3A_284 : i1 to i32
    %cond3A_286 = arith.constant 0 : i32
    %cond3A_287 = arith.cmpi ne, %convert_element_type3A_285, %cond3A_286 : i32
    scf.if %cond3A_287 {
      %run_scoped3A = arith.constant 1 : i32
      "tpu.region"() ({
        %run_scoped3A_357 = tpu.sem_alloc : memref<!tpu.dma_semaphore, #tpu.memory_space<semaphore_mem>>
        %dma_start3A_358 = arith.constant 0 : i32
        %dma_start3A_359 = arith.constant 0 : i32
        %dma_start3A_360 = tpu.memref_slice %arg4[%arg1, %run_scoped3A, %dma_start3A_358, %dma_start3A_359] : memref<16x2x84x128xi32, #tpu.memory_space<hbm>> -> memref<1x1x84x128xi32, #tpu.memory_space<hbm>>
        %dma_start3A_361 = tpu.memref_squeeze %dma_start3A_360 : memref<1x1x84x128xi32, #tpu.memory_space<hbm>> -> memref<84x128xi32, #tpu.memory_space<hbm>>
        %dma_start3A_362 = arith.constant 0 : i32
        %dma_start3A_363 = arith.constant 0 : i32
        %dma_start3A_364 = tpu.memref_slice %arg4[%arg1, %run_scoped3A, %dma_start3A_362, %dma_start3A_363] : memref<16x2x84x128xi32, #tpu.memory_space<hbm>> -> memref<1x1x84x128xi32, #tpu.memory_space<hbm>>
        %dma_start3A_365 = tpu.memref_squeeze %dma_start3A_364 : memref<1x1x84x128xi32, #tpu.memory_space<hbm>> -> memref<84x128xi32, #tpu.memory_space<hbm>>
        tpu.enqueue_dma source(%dma_start3A_365 : memref<84x128xi32, #tpu.memory_space<hbm>>) target(%arg12 : memref<84x128xi32, #tpu.memory_space<vmem>>) target_semaphore(%run_scoped3A_357 : memref<!tpu.dma_semaphore, #tpu.memory_space<semaphore_mem>>)
        %dma_wait3A_366 = arith.constant 0 : i32
        %dma_wait3A_367 = arith.constant 0 : i32
        %dma_wait3A_368 = tpu.memref_slice %arg4[%arg1, %run_scoped3A, %dma_wait3A_366, %dma_wait3A_367] : memref<16x2x84x128xi32, #tpu.memory_space<hbm>> -> memref<1x1x84x128xi32, #tpu.memory_space<hbm>>
        %dma_wait3A_369 = tpu.memref_squeeze %dma_wait3A_368 : memref<1x1x84x128xi32, #tpu.memory_space<hbm>> -> memref<84x128xi32, #tpu.memory_space<hbm>>
        %dma_wait3A_370 = arith.constant 0 : i32
        %dma_wait3A_371 = arith.constant 0 : i32
        %dma_wait3A_372 = tpu.memref_slice %arg4[%arg1, %run_scoped3A, %dma_wait3A_370, %dma_wait3A_371] : memref<16x2x84x128xi32, #tpu.memory_space<hbm>> -> memref<1x1x84x128xi32, #tpu.memory_space<hbm>>
        %dma_wait3A_373 = tpu.memref_squeeze %dma_wait3A_372 : memref<1x1x84x128xi32, #tpu.memory_space<hbm>> -> memref<84x128xi32, #tpu.memory_space<hbm>>
        tpu.wait_dma2 semaphore(%run_scoped3A_357 : memref<!tpu.dma_semaphore, #tpu.memory_space<semaphore_mem>>) src(%dma_wait3A_373 : memref<84x128xi32, #tpu.memory_space<hbm>>) dst(%arg12 : memref<84x128xi32, #tpu.memory_space<vmem>>)
        tpu.yield
      }) : () -> ()
      %run_scoped3A_356 = arith.constant 1 : i32
      "tpu.region"() ({
        %run_scoped3A_357 = tpu.sem_alloc : memref<!tpu.dma_semaphore, #tpu.memory_space<semaphore_mem>>
        %dma_start3A_358 = arith.constant 0 : i32
        %dma_start3A_359 = arith.constant 0 : i32
        %dma_start3A_360 = tpu.memref_slice %arg3[%arg1, %run_scoped3A_356, %dma_start3A_358, %dma_start3A_359] : memref<16x2x84x128xi32, #tpu.memory_space<hbm>> -> memref<1x1x84x128xi32, #tpu.memory_space<hbm>>
        %dma_start3A_361 = tpu.memref_squeeze %dma_start3A_360 : memref<1x1x84x128xi32, #tpu.memory_space<hbm>> -> memref<84x128xi32, #tpu.memory_space<hbm>>
        %dma_start3A_362 = arith.constant 0 : i32
        %dma_start3A_363 = arith.constant 0 : i32
        %dma_start3A_364 = tpu.memref_slice %arg3[%arg1, %run_scoped3A_356, %dma_start3A_362, %dma_start3A_363] : memref<16x2x84x128xi32, #tpu.memory_space<hbm>> -> memref<1x1x84x128xi32, #tpu.memory_space<hbm>>
        %dma_start3A_365 = tpu.memref_squeeze %dma_start3A_364 : memref<1x1x84x128xi32, #tpu.memory_space<hbm>> -> memref<84x128xi32, #tpu.memory_space<hbm>>
        tpu.enqueue_dma source(%dma_start3A_365 : memref<84x128xi32, #tpu.memory_space<hbm>>) target(%arg13 : memref<84x128xi32, #tpu.memory_space<vmem>>) target_semaphore(%run_scoped3A_357 : memref<!tpu.dma_semaphore, #tpu.memory_space<semaphore_mem>>)
        %dma_wait3A_366 = arith.constant 0 : i32
        %dma_wait3A_367 = arith.constant 0 : i32
        %dma_wait3A_368 = tpu.memref_slice %arg3[%arg1, %run_scoped3A_356, %dma_wait3A_366, %dma_wait3A_367] : memref<16x2x84x128xi32, #tpu.memory_space<hbm>> -> memref<1x1x84x128xi32, #tpu.memory_space<hbm>>
        %dma_wait3A_369 = tpu.memref_squeeze %dma_wait3A_368 : memref<1x1x84x128xi32, #tpu.memory_space<hbm>> -> memref<84x128xi32, #tpu.memory_space<hbm>>
        %dma_wait3A_370 = arith.constant 0 : i32
        %dma_wait3A_371 = arith.constant 0 : i32
        %dma_wait3A_372 = tpu.memref_slice %arg3[%arg1, %run_scoped3A_356, %dma_wait3A_370, %dma_wait3A_371] : memref<16x2x84x128xi32, #tpu.memory_space<hbm>> -> memref<1x1x84x128xi32, #tpu.memory_space<hbm>>
        %dma_wait3A_373 = tpu.memref_squeeze %dma_wait3A_372 : memref<1x1x84x128xi32, #tpu.memory_space<hbm>> -> memref<84x128xi32, #tpu.memory_space<hbm>>
        tpu.wait_dma2 semaphore(%run_scoped3A_357 : memref<!tpu.dma_semaphore, #tpu.memory_space<semaphore_mem>>) src(%dma_wait3A_373 : memref<84x128xi32, #tpu.memory_space<hbm>>) dst(%arg13 : memref<84x128xi32, #tpu.memory_space<vmem>>)
        tpu.yield
      }) : () -> ()
    } else {
    }
    %dma_start3A_288 = arith.constant 0 : i32
    %dma_start3A_289 = arith.constant 0 : i32
    %dma_start3A_290 = tpu.memref_slice %arg12[%dma_start3A_288, %dma_start3A_289] : memref<84x128xi32, #tpu.memory_space<vmem>> -> memref<1x128xi32, #tpu.memory_space<vmem>>
    %dma_start3A_291 = tpu.memref_squeeze %dma_start3A_290 : memref<1x128xi32, #tpu.memory_space<vmem>> -> memref<128xi32, #tpu.memory_space<vmem>>
    %dma_start3A_292 = arith.constant 0 : i32
    %dma_start3A_293 = arith.constant 0 : i32
    %dma_start3A_294 = tpu.memref_slice %arg10[%dma_start3A_292, %dma_start3A_293] : memref<10008x128xbf16, #tpu.memory_space<vmem_shared>> -> memref<10008x128xbf16, #tpu.memory_space<vmem_shared>>
    tpu.enqueue_indirect_dma source(%dma_start3A_294 : memref<10008x128xbf16, #tpu.memory_space<vmem_shared>>) target(%arg14 : memref<128x128xbf16, #tpu.memory_space<vmem>>) offsets(%dma_start3A_291 : memref<128xi32, #tpu.memory_space<vmem>>) semaphore(%arg19 : memref<!tpu.dma_semaphore, #tpu.memory_space<semaphore_mem>>)
    %dma_start3A_295 = arith.constant 1 : i32
    %dma_start3A_296 = arith.constant 0 : i32
    %dma_start3A_297 = tpu.memref_slice %arg12[%dma_start3A_295, %dma_start3A_296] : memref<84x128xi32, #tpu.memory_space<vmem>> -> memref<1x128xi32, #tpu.memory_space<vmem>>
    %dma_start3A_298 = tpu.memref_squeeze %dma_start3A_297 : memref<1x128xi32, #tpu.memory_space<vmem>> -> memref<128xi32, #tpu.memory_space<vmem>>
    %dma_start3A_299 = arith.constant 0 : i32
    %dma_start3A_300 = arith.constant 0 : i32
    %dma_start3A_301 = tpu.memref_slice %arg10[%dma_start3A_299, %dma_start3A_300] : memref<10008x128xbf16, #tpu.memory_space<vmem_shared>> -> memref<10008x128xbf16, #tpu.memory_space<vmem_shared>>
    tpu.enqueue_indirect_dma source(%dma_start3A_301 : memref<10008x128xbf16, #tpu.memory_space<vmem_shared>>) target(%arg15 : memref<128x128xbf16, #tpu.memory_space<vmem>>) offsets(%dma_start3A_298 : memref<128xi32, #tpu.memory_space<vmem>>) semaphore(%arg20 : memref<!tpu.dma_semaphore, #tpu.memory_space<semaphore_mem>>)
    %dma_start3A_302 = arith.constant 2 : i32
    %dma_start3A_303 = arith.constant 0 : i32
    %dma_start3A_304 = tpu.memref_slice %arg12[%dma_start3A_302, %dma_start3A_303] : memref<84x128xi32, #tpu.memory_space<vmem>> -> memref<1x128xi32, #tpu.memory_space<vmem>>
    %dma_start3A_305 = tpu.memref_squeeze %dma_start3A_304 : memref<1x128xi32, #tpu.memory_space<vmem>> -> memref<128xi32, #tpu.memory_space<vmem>>
    %dma_start3A_306 = arith.constant 0 : i32
    %dma_start3A_307 = arith.constant 0 : i32
    %dma_start3A_308 = tpu.memref_slice %arg10[%dma_start3A_306, %dma_start3A_307] : memref<10008x128xbf16, #tpu.memory_space<vmem_shared>> -> memref<10008x128xbf16, #tpu.memory_space<vmem_shared>>
    tpu.enqueue_indirect_dma source(%dma_start3A_308 : memref<10008x128xbf16, #tpu.memory_space<vmem_shared>>) target(%arg16 : memref<128x128xbf16, #tpu.memory_space<vmem>>) offsets(%dma_start3A_305 : memref<128xi32, #tpu.memory_space<vmem>>) semaphore(%arg21 : memref<!tpu.dma_semaphore, #tpu.memory_space<semaphore_mem>>)
    %scan3A_309 = arith.constant 0 : i32
    %scan3A_310 = arith.constant 0 : i32
    %scan3A_311 = arith.constant 28 : i32
    %scan3A_312 = arith.addi %scan3A_310, %scan3A_311 : i32
    %scan3A_313 = arith.constant 1 : i32
    scf.for %scan3A_356 = %scan3A_310 to %scan3A_312 step %scan3A_313  : i32 {
      %mul3A_357 = arith.constant 3 : i32
      %mul3A_358 = arith.muli %mul3A_357, %scan3A_356 : i32
      %add3A = arith.constant 0 : i32
      %add3A_359 = arith.addi %mul3A_358, %add3A : i32
      %dma_wait3A_360 = arith.constant 0 : i32
      %dma_wait3A_361 = arith.constant 0 : i32
      %dma_wait3A_362 = tpu.memref_slice %arg12[%dma_wait3A_360, %dma_wait3A_361] : memref<84x128xi32, #tpu.memory_space<vmem>> -> memref<1x128xi32, #tpu.memory_space<vmem>>
      %dma_wait3A_363 = tpu.memref_squeeze %dma_wait3A_362 : memref<1x128xi32, #tpu.memory_space<vmem>> -> memref<128xi32, #tpu.memory_space<vmem>>
      %dma_wait3A_364 = arith.constant 0 : i32
      %dma_wait3A_365 = arith.constant 0 : i32
      %dma_wait3A_366 = tpu.memref_slice %arg2[%dma_wait3A_364, %dma_wait3A_365] : memref<10000x128xbf16, #tpu.memory_space<hbm>> -> memref<10000x128xbf16, #tpu.memory_space<hbm>>
      tpu.wait_indirect_dma semaphore(%arg19 : memref<!tpu.dma_semaphore, #tpu.memory_space<semaphore_mem>>) src(%dma_wait3A_366 : memref<10000x128xbf16, #tpu.memory_space<hbm>>) dst(%arg14 : memref<128x128xbf16, #tpu.memory_space<vmem>>)
      %dma_start3A_367 = arith.constant 0 : i32
      %dma_start3A_368 = tpu.memref_slice %arg13[%add3A_359, %dma_start3A_367] : memref<84x128xi32, #tpu.memory_space<vmem>> -> memref<1x128xi32, #tpu.memory_space<vmem>>
      %dma_start3A_369 = tpu.memref_squeeze %dma_start3A_368 : memref<1x128xi32, #tpu.memory_space<vmem>> -> memref<128xi32, #tpu.memory_space<vmem>>
      %dma_start3A_370 = arith.constant 0 : i32
      %dma_start3A_371 = arith.constant 0 : i32
      %dma_start3A_372 = tpu.memref_slice %arg9[%dma_start3A_370, %dma_start3A_371] : memref<10240x128xbf16, #tpu.memory_space<vmem_shared>> -> memref<10240x128xbf16, #tpu.memory_space<vmem_shared>>
      tpu.enqueue_indirect_dma source(%arg14 : memref<128x128xbf16, #tpu.memory_space<vmem>>) target(%dma_start3A_372 : memref<10240x128xbf16, #tpu.memory_space<vmem_shared>>) offsets(%dma_start3A_369 : memref<128xi32, #tpu.memory_space<vmem>>) semaphore(%arg22 : memref<!tpu.dma_semaphore, #tpu.memory_space<semaphore_mem>>) {add = true}
      %dma_start3A_373 = arith.constant 0 : i32
      %dma_start3A_374 = tpu.memref_slice %arg13[%add3A_359, %dma_start3A_373] : memref<84x128xi32, #tpu.memory_space<vmem>> -> memref<1x128xi32, #tpu.memory_space<vmem>>
      %dma_start3A_375 = tpu.memref_squeeze %dma_start3A_374 : memref<1x128xi32, #tpu.memory_space<vmem>> -> memref<128xi32, #tpu.memory_space<vmem>>
      %dma_start3A_376 = arith.constant 0 : i32
      %dma_start3A_377 = tpu.memref_slice %arg11[%dma_start3A_376] : memref<10240xf32, #tpu.memory_space<vmem_shared>> -> memref<10240xf32, #tpu.memory_space<vmem_shared>>
      tpu.enqueue_indirect_dma source(%arg17 : memref<128xf32, #tpu.memory_space<vmem>>) target(%dma_start3A_377 : memref<10240xf32, #tpu.memory_space<vmem_shared>>) offsets(%dma_start3A_375 : memref<128xi32, #tpu.memory_space<vmem>>) semaphore(%arg25 : memref<!tpu.dma_semaphore, #tpu.memory_space<semaphore_mem>>) {add = true}
      %lt3A_378 = arith.constant 27 : i32
      %lt3A_379 = arith.cmpi slt, %scan3A_356, %lt3A_378 : i32
      %convert_element_type3A_380 = arith.extui %lt3A_379 : i1 to i32
      %cond3A_381 = arith.constant 0 : i32
      %cond3A_382 = arith.cmpi ne, %convert_element_type3A_380, %cond3A_381 : i32
      scf.if %cond3A_382 {
        %dma_wait3A_437 = arith.constant 0 : i32
        %dma_wait3A_438 = arith.constant 0 : i32
        %dma_wait3A_439 = tpu.memref_slice %arg12[%dma_wait3A_437, %dma_wait3A_438] : memref<84x128xi32, #tpu.memory_space<vmem>> -> memref<1x128xi32, #tpu.memory_space<vmem>>
        %dma_wait3A_440 = tpu.memref_squeeze %dma_wait3A_439 : memref<1x128xi32, #tpu.memory_space<vmem>> -> memref<128xi32, #tpu.memory_space<vmem>>
        %dma_wait3A_441 = arith.constant 0 : i32
        %dma_wait3A_442 = arith.constant 0 : i32
        %dma_wait3A_443 = tpu.memref_slice %arg2[%dma_wait3A_441, %dma_wait3A_442] : memref<10000x128xbf16, #tpu.memory_space<hbm>> -> memref<10000x128xbf16, #tpu.memory_space<hbm>>
        tpu.wait_indirect_dma semaphore(%arg22 : memref<!tpu.dma_semaphore, #tpu.memory_space<semaphore_mem>>) src(%dma_wait3A_443 : memref<10000x128xbf16, #tpu.memory_space<hbm>>) dst(%arg14 : memref<128x128xbf16, #tpu.memory_space<vmem>>)
        %add3A_444 = arith.constant 3 : i32
        %add3A_445 = arith.addi %add3A_359, %add3A_444 : i32
        %dma_start3A_446 = arith.constant 0 : i32
        %dma_start3A_447 = tpu.memref_slice %arg12[%add3A_445, %dma_start3A_446] : memref<84x128xi32, #tpu.memory_space<vmem>> -> memref<1x128xi32, #tpu.memory_space<vmem>>
        %dma_start3A_448 = tpu.memref_squeeze %dma_start3A_447 : memref<1x128xi32, #tpu.memory_space<vmem>> -> memref<128xi32, #tpu.memory_space<vmem>>
        %dma_start3A_449 = arith.constant 0 : i32
        %dma_start3A_450 = arith.constant 0 : i32
        %dma_start3A_451 = tpu.memref_slice %arg10[%dma_start3A_449, %dma_start3A_450] : memref<10008x128xbf16, #tpu.memory_space<vmem_shared>> -> memref<10008x128xbf16, #tpu.memory_space<vmem_shared>>
        tpu.enqueue_indirect_dma source(%dma_start3A_451 : memref<10008x128xbf16, #tpu.memory_space<vmem_shared>>) target(%arg14 : memref<128x128xbf16, #tpu.memory_space<vmem>>) offsets(%dma_start3A_448 : memref<128xi32, #tpu.memory_space<vmem>>) semaphore(%arg19 : memref<!tpu.dma_semaphore, #tpu.memory_space<semaphore_mem>>)
      } else {
      }
      %mul3A_383 = arith.constant 3 : i32
      %mul3A_384 = arith.muli %mul3A_383, %scan3A_356 : i32
      %add3A_385 = arith.constant 1 : i32
      %add3A_386 = arith.addi %mul3A_384, %add3A_385 : i32
      %dma_wait3A_387 = arith.constant 0 : i32
      %dma_wait3A_388 = arith.constant 0 : i32
      %dma_wait3A_389 = tpu.memref_slice %arg12[%dma_wait3A_387, %dma_wait3A_388] : memref<84x128xi32, #tpu.memory_space<vmem>> -> memref<1x128xi32, #tpu.memory_space<vmem>>
      %dma_wait3A_390 = tpu.memref_squeeze %dma_wait3A_389 : memref<1x128xi32, #tpu.memory_space<vmem>> -> memref<128xi32, #tpu.memory_space<vmem>>
      %dma_wait3A_391 = arith.constant 0 : i32
      %dma_wait3A_392 = arith.constant 0 : i32
      %dma_wait3A_393 = tpu.memref_slice %arg2[%dma_wait3A_391, %dma_wait3A_392] : memref<10000x128xbf16, #tpu.memory_space<hbm>> -> memref<10000x128xbf16, #tpu.memory_space<hbm>>
      tpu.wait_indirect_dma semaphore(%arg20 : memref<!tpu.dma_semaphore, #tpu.memory_space<semaphore_mem>>) src(%dma_wait3A_393 : memref<10000x128xbf16, #tpu.memory_space<hbm>>) dst(%arg15 : memref<128x128xbf16, #tpu.memory_space<vmem>>)
      %dma_start3A_394 = arith.constant 0 : i32
      %dma_start3A_395 = tpu.memref_slice %arg13[%add3A_386, %dma_start3A_394] : memref<84x128xi32, #tpu.memory_space<vmem>> -> memref<1x128xi32, #tpu.memory_space<vmem>>
      %dma_start3A_396 = tpu.memref_squeeze %dma_start3A_395 : memref<1x128xi32, #tpu.memory_space<vmem>> -> memref<128xi32, #tpu.memory_space<vmem>>
      %dma_start3A_397 = arith.constant 0 : i32
      %dma_start3A_398 = arith.constant 0 : i32
      %dma_start3A_399 = tpu.memref_slice %arg9[%dma_start3A_397, %dma_start3A_398] : memref<10240x128xbf16, #tpu.memory_space<vmem_shared>> -> memref<10240x128xbf16, #tpu.memory_space<vmem_shared>>
      tpu.enqueue_indirect_dma source(%arg15 : memref<128x128xbf16, #tpu.memory_space<vmem>>) target(%dma_start3A_399 : memref<10240x128xbf16, #tpu.memory_space<vmem_shared>>) offsets(%dma_start3A_396 : memref<128xi32, #tpu.memory_space<vmem>>) semaphore(%arg23 : memref<!tpu.dma_semaphore, #tpu.memory_space<semaphore_mem>>) {add = true}
      %dma_start3A_400 = arith.constant 0 : i32
      %dma_start3A_401 = tpu.memref_slice %arg13[%add3A_386, %dma_start3A_400] : memref<84x128xi32, #tpu.memory_space<vmem>> -> memref<1x128xi32, #tpu.memory_space<vmem>>
      %dma_start3A_402 = tpu.memref_squeeze %dma_start3A_401 : memref<1x128xi32, #tpu.memory_space<vmem>> -> memref<128xi32, #tpu.memory_space<vmem>>
      %dma_start3A_403 = arith.constant 0 : i32
      %dma_start3A_404 = tpu.memref_slice %arg11[%dma_start3A_403] : memref<10240xf32, #tpu.memory_space<vmem_shared>> -> memref<10240xf32, #tpu.memory_space<vmem_shared>>
      tpu.enqueue_indirect_dma source(%arg17 : memref<128xf32, #tpu.memory_space<vmem>>) target(%dma_start3A_404 : memref<10240xf32, #tpu.memory_space<vmem_shared>>) offsets(%dma_start3A_402 : memref<128xi32, #tpu.memory_space<vmem>>) semaphore(%arg25 : memref<!tpu.dma_semaphore, #tpu.memory_space<semaphore_mem>>) {add = true}
      %lt3A_405 = arith.constant 27 : i32
      %lt3A_406 = arith.cmpi slt, %scan3A_356, %lt3A_405 : i32
      %convert_element_type3A_407 = arith.extui %lt3A_406 : i1 to i32
      %cond3A_408 = arith.constant 0 : i32
      %cond3A_409 = arith.cmpi ne, %convert_element_type3A_407, %cond3A_408 : i32
      scf.if %cond3A_409 {
        %dma_wait3A_437 = arith.constant 0 : i32
        %dma_wait3A_438 = arith.constant 0 : i32
        %dma_wait3A_439 = tpu.memref_slice %arg12[%dma_wait3A_437, %dma_wait3A_438] : memref<84x128xi32, #tpu.memory_space<vmem>> -> memref<1x128xi32, #tpu.memory_space<vmem>>
        %dma_wait3A_440 = tpu.memref_squeeze %dma_wait3A_439 : memref<1x128xi32, #tpu.memory_space<vmem>> -> memref<128xi32, #tpu.memory_space<vmem>>
        %dma_wait3A_441 = arith.constant 0 : i32
        %dma_wait3A_442 = arith.constant 0 : i32
        %dma_wait3A_443 = tpu.memref_slice %arg2[%dma_wait3A_441, %dma_wait3A_442] : memref<10000x128xbf16, #tpu.memory_space<hbm>> -> memref<10000x128xbf16, #tpu.memory_space<hbm>>
        tpu.wait_indirect_dma semaphore(%arg23 : memref<!tpu.dma_semaphore, #tpu.memory_space<semaphore_mem>>) src(%dma_wait3A_443 : memref<10000x128xbf16, #tpu.memory_space<hbm>>) dst(%arg15 : memref<128x128xbf16, #tpu.memory_space<vmem>>)
        %add3A_444 = arith.constant 3 : i32
        %add3A_445 = arith.addi %add3A_386, %add3A_444 : i32
        %dma_start3A_446 = arith.constant 0 : i32
        %dma_start3A_447 = tpu.memref_slice %arg12[%add3A_445, %dma_start3A_446] : memref<84x128xi32, #tpu.memory_space<vmem>> -> memref<1x128xi32, #tpu.memory_space<vmem>>
        %dma_start3A_448 = tpu.memref_squeeze %dma_start3A_447 : memref<1x128xi32, #tpu.memory_space<vmem>> -> memref<128xi32, #tpu.memory_space<vmem>>
        %dma_start3A_449 = arith.constant 0 : i32
        %dma_start3A_450 = arith.constant 0 : i32
        %dma_start3A_451 = tpu.memref_slice %arg10[%dma_start3A_449, %dma_start3A_450] : memref<10008x128xbf16, #tpu.memory_space<vmem_shared>> -> memref<10008x128xbf16, #tpu.memory_space<vmem_shared>>
        tpu.enqueue_indirect_dma source(%dma_start3A_451 : memref<10008x128xbf16, #tpu.memory_space<vmem_shared>>) target(%arg15 : memref<128x128xbf16, #tpu.memory_space<vmem>>) offsets(%dma_start3A_448 : memref<128xi32, #tpu.memory_space<vmem>>) semaphore(%arg20 : memref<!tpu.dma_semaphore, #tpu.memory_space<semaphore_mem>>)
      } else {
      }
      %mul3A_410 = arith.constant 3 : i32
      %mul3A_411 = arith.muli %mul3A_410, %scan3A_356 : i32
      %add3A_412 = arith.constant 2 : i32
      %add3A_413 = arith.addi %mul3A_411, %add3A_412 : i32
      %dma_wait3A_414 = arith.constant 0 : i32
      %dma_wait3A_415 = arith.constant 0 : i32
      %dma_wait3A_416 = tpu.memref_slice %arg12[%dma_wait3A_414, %dma_wait3A_415] : memref<84x128xi32, #tpu.memory_space<vmem>> -> memref<1x128xi32, #tpu.memory_space<vmem>>
      %dma_wait3A_417 = tpu.memref_squeeze %dma_wait3A_416 : memref<1x128xi32, #tpu.memory_space<vmem>> -> memref<128xi32, #tpu.memory_space<vmem>>
      %dma_wait3A_418 = arith.constant 0 : i32
      %dma_wait3A_419 = arith.constant 0 : i32
      %dma_wait3A_420 = tpu.memref_slice %arg2[%dma_wait3A_418, %dma_wait3A_419] : memref<10000x128xbf16, #tpu.memory_space<hbm>> -> memref<10000x128xbf16, #tpu.memory_space<hbm>>
      tpu.wait_indirect_dma semaphore(%arg21 : memref<!tpu.dma_semaphore, #tpu.memory_space<semaphore_mem>>) src(%dma_wait3A_420 : memref<10000x128xbf16, #tpu.memory_space<hbm>>) dst(%arg16 : memref<128x128xbf16, #tpu.memory_space<vmem>>)
      %dma_start3A_421 = arith.constant 0 : i32
      %dma_start3A_422 = tpu.memref_slice %arg13[%add3A_413, %dma_start3A_421] : memref<84x128xi32, #tpu.memory_space<vmem>> -> memref<1x128xi32, #tpu.memory_space<vmem>>
      %dma_start3A_423 = tpu.memref_squeeze %dma_start3A_422 : memref<1x128xi32, #tpu.memory_space<vmem>> -> memref<128xi32, #tpu.memory_space<vmem>>
      %dma_start3A_424 = arith.constant 0 : i32
      %dma_start3A_425 = arith.constant 0 : i32
      %dma_start3A_426 = tpu.memref_slice %arg9[%dma_start3A_424, %dma_start3A_425] : memref<10240x128xbf16, #tpu.memory_space<vmem_shared>> -> memref<10240x128xbf16, #tpu.memory_space<vmem_shared>>
      tpu.enqueue_indirect_dma source(%arg16 : memref<128x128xbf16, #tpu.memory_space<vmem>>) target(%dma_start3A_426 : memref<10240x128xbf16, #tpu.memory_space<vmem_shared>>) offsets(%dma_start3A_423 : memref<128xi32, #tpu.memory_space<vmem>>) semaphore(%arg24 : memref<!tpu.dma_semaphore, #tpu.memory_space<semaphore_mem>>) {add = true}
      %dma_start3A_427 = arith.constant 0 : i32
      %dma_start3A_428 = tpu.memref_slice %arg13[%add3A_413, %dma_start3A_427] : memref<84x128xi32, #tpu.memory_space<vmem>> -> memref<1x128xi32, #tpu.memory_space<vmem>>
      %dma_start3A_429 = tpu.memref_squeeze %dma_start3A_428 : memref<1x128xi32, #tpu.memory_space<vmem>> -> memref<128xi32, #tpu.memory_space<vmem>>
      %dma_start3A_430 = arith.constant 0 : i32
      %dma_start3A_431 = tpu.memref_slice %arg11[%dma_start3A_430] : memref<10240xf32, #tpu.memory_space<vmem_shared>> -> memref<10240xf32, #tpu.memory_space<vmem_shared>>
      tpu.enqueue_indirect_dma source(%arg17 : memref<128xf32, #tpu.memory_space<vmem>>) target(%dma_start3A_431 : memref<10240xf32, #tpu.memory_space<vmem_shared>>) offsets(%dma_start3A_429 : memref<128xi32, #tpu.memory_space<vmem>>) semaphore(%arg25 : memref<!tpu.dma_semaphore, #tpu.memory_space<semaphore_mem>>) {add = true}
      %lt3A_432 = arith.constant 27 : i32
      %lt3A_433 = arith.cmpi slt, %scan3A_356, %lt3A_432 : i32
      %convert_element_type3A_434 = arith.extui %lt3A_433 : i1 to i32
      %cond3A_435 = arith.constant 0 : i32
      %cond3A_436 = arith.cmpi ne, %convert_element_type3A_434, %cond3A_435 : i32
      scf.if %cond3A_436 {
        %dma_wait3A_437 = arith.constant 0 : i32
        %dma_wait3A_438 = arith.constant 0 : i32
        %dma_wait3A_439 = tpu.memref_slice %arg12[%dma_wait3A_437, %dma_wait3A_438] : memref<84x128xi32, #tpu.memory_space<vmem>> -> memref<1x128xi32, #tpu.memory_space<vmem>>
        %dma_wait3A_440 = tpu.memref_squeeze %dma_wait3A_439 : memref<1x128xi32, #tpu.memory_space<vmem>> -> memref<128xi32, #tpu.memory_space<vmem>>
        %dma_wait3A_441 = arith.constant 0 : i32
        %dma_wait3A_442 = arith.constant 0 : i32
        %dma_wait3A_443 = tpu.memref_slice %arg2[%dma_wait3A_441, %dma_wait3A_442] : memref<10000x128xbf16, #tpu.memory_space<hbm>> -> memref<10000x128xbf16, #tpu.memory_space<hbm>>
        tpu.wait_indirect_dma semaphore(%arg24 : memref<!tpu.dma_semaphore, #tpu.memory_space<semaphore_mem>>) src(%dma_wait3A_443 : memref<10000x128xbf16, #tpu.memory_space<hbm>>) dst(%arg16 : memref<128x128xbf16, #tpu.memory_space<vmem>>)
        %add3A_444 = arith.constant 3 : i32
        %add3A_445 = arith.addi %add3A_413, %add3A_444 : i32
        %dma_start3A_446 = arith.constant 0 : i32
        %dma_start3A_447 = tpu.memref_slice %arg12[%add3A_445, %dma_start3A_446] : memref<84x128xi32, #tpu.memory_space<vmem>> -> memref<1x128xi32, #tpu.memory_space<vmem>>
        %dma_start3A_448 = tpu.memref_squeeze %dma_start3A_447 : memref<1x128xi32, #tpu.memory_space<vmem>> -> memref<128xi32, #tpu.memory_space<vmem>>
        %dma_start3A_449 = arith.constant 0 : i32
        %dma_start3A_450 = arith.constant 0 : i32
        %dma_start3A_451 = tpu.memref_slice %arg10[%dma_start3A_449, %dma_start3A_450] : memref<10008x128xbf16, #tpu.memory_space<vmem_shared>> -> memref<10008x128xbf16, #tpu.memory_space<vmem_shared>>
        tpu.enqueue_indirect_dma source(%dma_start3A_451 : memref<10008x128xbf16, #tpu.memory_space<vmem_shared>>) target(%arg16 : memref<128x128xbf16, #tpu.memory_space<vmem>>) offsets(%dma_start3A_448 : memref<128xi32, #tpu.memory_space<vmem>>) semaphore(%arg21 : memref<!tpu.dma_semaphore, #tpu.memory_space<semaphore_mem>>)
      } else {
      }
    }
    %scan3A_314 = arith.constant 28 : i32
    %dma_wait3A_315 = arith.constant 0 : i32
    %dma_wait3A_316 = arith.constant 0 : i32
    %dma_wait3A_317 = tpu.memref_slice %arg12[%dma_wait3A_315, %dma_wait3A_316] : memref<84x128xi32, #tpu.memory_space<vmem>> -> memref<1x128xi32, #tpu.memory_space<vmem>>
    %dma_wait3A_318 = tpu.memref_squeeze %dma_wait3A_317 : memref<1x128xi32, #tpu.memory_space<vmem>> -> memref<128xi32, #tpu.memory_space<vmem>>
    %dma_wait3A_319 = arith.constant 0 : i32
    %dma_wait3A_320 = arith.constant 0 : i32
    %dma_wait3A_321 = tpu.memref_slice %arg2[%dma_wait3A_319, %dma_wait3A_320] : memref<10000x128xbf16, #tpu.memory_space<hbm>> -> memref<10000x128xbf16, #tpu.memory_space<hbm>>
    tpu.wait_indirect_dma semaphore(%arg22 : memref<!tpu.dma_semaphore, #tpu.memory_space<semaphore_mem>>) src(%dma_wait3A_321 : memref<10000x128xbf16, #tpu.memory_space<hbm>>) dst(%arg14 : memref<128x128xbf16, #tpu.memory_space<vmem>>)
    %dma_wait3A_322 = arith.constant 0 : i32
    %dma_wait3A_323 = arith.constant 0 : i32
    %dma_wait3A_324 = tpu.memref_slice %arg12[%dma_wait3A_322, %dma_wait3A_323] : memref<84x128xi32, #tpu.memory_space<vmem>> -> memref<1x128xi32, #tpu.memory_space<vmem>>
    %dma_wait3A_325 = tpu.memref_squeeze %dma_wait3A_324 : memref<1x128xi32, #tpu.memory_space<vmem>> -> memref<128xi32, #tpu.memory_space<vmem>>
    %dma_wait3A_326 = arith.constant 0 : i32
    %dma_wait3A_327 = arith.constant 0 : i32
    %dma_wait3A_328 = tpu.memref_slice %arg2[%dma_wait3A_326, %dma_wait3A_327] : memref<10000x128xbf16, #tpu.memory_space<hbm>> -> memref<10000x128xbf16, #tpu.memory_space<hbm>>
    tpu.wait_indirect_dma semaphore(%arg23 : memref<!tpu.dma_semaphore, #tpu.memory_space<semaphore_mem>>) src(%dma_wait3A_328 : memref<10000x128xbf16, #tpu.memory_space<hbm>>) dst(%arg15 : memref<128x128xbf16, #tpu.memory_space<vmem>>)
    %dma_wait3A_329 = arith.constant 0 : i32
    %dma_wait3A_330 = arith.constant 0 : i32
    %dma_wait3A_331 = tpu.memref_slice %arg12[%dma_wait3A_329, %dma_wait3A_330] : memref<84x128xi32, #tpu.memory_space<vmem>> -> memref<1x128xi32, #tpu.memory_space<vmem>>
    %dma_wait3A_332 = tpu.memref_squeeze %dma_wait3A_331 : memref<1x128xi32, #tpu.memory_space<vmem>> -> memref<128xi32, #tpu.memory_space<vmem>>
    %dma_wait3A_333 = arith.constant 0 : i32
    %dma_wait3A_334 = arith.constant 0 : i32
    %dma_wait3A_335 = tpu.memref_slice %arg2[%dma_wait3A_333, %dma_wait3A_334] : memref<10000x128xbf16, #tpu.memory_space<hbm>> -> memref<10000x128xbf16, #tpu.memory_space<hbm>>
    tpu.wait_indirect_dma semaphore(%arg24 : memref<!tpu.dma_semaphore, #tpu.memory_space<semaphore_mem>>) src(%dma_wait3A_335 : memref<10000x128xbf16, #tpu.memory_space<hbm>>) dst(%arg16 : memref<128x128xbf16, #tpu.memory_space<vmem>>)
    %dma_wait3A_336 = arith.constant 1 : i32
    %dma_wait3A_337 = arith.constant 0 : i32
    %dma_wait3A_338 = arith.constant 0 : i32
    %dma_wait3A_339 = tpu.memref_slice %arg3[%arg1, %dma_wait3A_336, %dma_wait3A_337, %dma_wait3A_338] : memref<16x2x84x128xi32, #tpu.memory_space<hbm>> -> memref<1x1x84x128xi32, #tpu.memory_space<hbm>>
    %dma_wait3A_340 = tpu.memref_squeeze %dma_wait3A_339 : memref<1x1x84x128xi32, #tpu.memory_space<hbm>> -> memref<84x128xi32, #tpu.memory_space<hbm>>
    %dma_wait3A_341 = arith.constant 0 : i32
    %dma_wait3A_342 = arith.constant 0 : i32
    %dma_wait3A_343 = tpu.memref_slice %arg3[%arg1, %dma_wait3A_336, %dma_wait3A_341, %dma_wait3A_342] : memref<16x2x84x128xi32, #tpu.memory_space<hbm>> -> memref<1x1x84x128xi32, #tpu.memory_space<hbm>>
    %dma_wait3A_344 = tpu.memref_squeeze %dma_wait3A_343 : memref<1x1x84x128xi32, #tpu.memory_space<hbm>> -> memref<84x128xi32, #tpu.memory_space<hbm>>
    tpu.wait_dma2 semaphore(%arg25 : memref<!tpu.dma_semaphore, #tpu.memory_space<semaphore_mem>>) src(%dma_wait3A_344 : memref<84x128xi32, #tpu.memory_space<hbm>>) dst(%arg12 : memref<84x128xi32, #tpu.memory_space<vmem>>)
    %barrier3A_345 = arith.constant 0 : index
    tpu.barrier barrier_id(%barrier3A_345)
    %eq3A_346 = arith.constant 0 : i32
    %eq3A_347 = arith.cmpi eq, %arg0, %eq3A_346 : i32
    %convert_element_type3A_348 = arith.extui %eq3A_347 : i1 to i32
    %cond3A_349 = arith.constant 0 : i32
    %cond3A_350 = arith.cmpi ne, %convert_element_type3A_348, %cond3A_349 : i32
    scf.if %cond3A_350 {
      %lt3A_356 = arith.constant 15 : i32
      %lt3A_357 = arith.cmpi slt, %arg1, %lt3A_356 : i32
      %convert_element_type3A_358 = arith.extui %lt3A_357 : i1 to i32
      %cond3A_359 = arith.constant 0 : i32
      %cond3A_360 = arith.cmpi ne, %convert_element_type3A_358, %cond3A_359 : i32
      scf.if %cond3A_360 {
        %mul3A_366 = arith.constant 640 : i32
        %mul3A_367 = arith.muli %arg1, %mul3A_366 : i32
        "tpu.region"() ({
          %run_scoped3A = tpu.sem_alloc : memref<!tpu.dma_semaphore, #tpu.memory_space<semaphore_mem>>
          %dma_start3A_368 = arith.constant 0 : i32
          %dma_start3A_369 = tpu.memref_slice %arg5[%mul3A_367, %dma_start3A_368] : memref<10000x128xbf16, #tpu.memory_space<hbm>> -> memref<640x128xbf16, #tpu.memory_space<hbm>>
          %dma_start3A_370 = arith.constant 0 : i32
          %dma_start3A_371 = tpu.memref_slice %arg9[%mul3A_367, %dma_start3A_370] : memref<10240x128xbf16, #tpu.memory_space<vmem_shared>> -> memref<640x128xbf16, #tpu.memory_space<vmem_shared>>
          tpu.enqueue_dma source(%dma_start3A_371 : memref<640x128xbf16, #tpu.memory_space<vmem_shared>>) target(%dma_start3A_369 : memref<640x128xbf16, #tpu.memory_space<hbm>>) target_semaphore(%run_scoped3A : memref<!tpu.dma_semaphore, #tpu.memory_space<semaphore_mem>>)
          %dma_wait3A_372 = arith.constant 0 : i32
          %dma_wait3A_373 = tpu.memref_slice %arg5[%mul3A_367, %dma_wait3A_372] : memref<10000x128xbf16, #tpu.memory_space<hbm>> -> memref<640x128xbf16, #tpu.memory_space<hbm>>
          %dma_wait3A_374 = arith.constant 0 : i32
          %dma_wait3A_375 = tpu.memref_slice %arg9[%mul3A_367, %dma_wait3A_374] : memref<10240x128xbf16, #tpu.memory_space<vmem_shared>> -> memref<640x128xbf16, #tpu.memory_space<vmem_shared>>
          tpu.wait_dma2 semaphore(%run_scoped3A : memref<!tpu.dma_semaphore, #tpu.memory_space<semaphore_mem>>) src(%dma_wait3A_375 : memref<640x128xbf16, #tpu.memory_space<vmem_shared>>) dst(%dma_wait3A_373 : memref<640x128xbf16, #tpu.memory_space<hbm>>)
          tpu.yield
        }) : () -> ()
        "tpu.region"() ({
          %run_scoped3A = tpu.sem_alloc : memref<!tpu.dma_semaphore, #tpu.memory_space<semaphore_mem>>
          %dma_start3A_368 = tpu.memref_slice %arg11[%mul3A_367] : memref<10240xf32, #tpu.memory_space<vmem_shared>> -> memref<640xf32, #tpu.memory_space<vmem_shared>>
          %dma_start3A_369 = tpu.memref_slice %arg11[%mul3A_367] : memref<10240xf32, #tpu.memory_space<vmem_shared>> -> memref<640xf32, #tpu.memory_space<vmem_shared>>
          tpu.enqueue_dma source(%dma_start3A_369 : memref<640xf32, #tpu.memory_space<vmem_shared>>) target(%arg18 : memref<640xf32, #tpu.memory_space<vmem>>) target_semaphore(%run_scoped3A : memref<!tpu.dma_semaphore, #tpu.memory_space<semaphore_mem>>)
          %dma_wait3A_370 = tpu.memref_slice %arg11[%mul3A_367] : memref<10240xf32, #tpu.memory_space<vmem_shared>> -> memref<640xf32, #tpu.memory_space<vmem_shared>>
          %dma_wait3A_371 = tpu.memref_slice %arg11[%mul3A_367] : memref<10240xf32, #tpu.memory_space<vmem_shared>> -> memref<640xf32, #tpu.memory_space<vmem_shared>>
          tpu.wait_dma2 semaphore(%run_scoped3A : memref<!tpu.dma_semaphore, #tpu.memory_space<semaphore_mem>>) src(%dma_wait3A_371 : memref<640xf32, #tpu.memory_space<vmem_shared>>) dst(%arg18 : memref<640xf32, #tpu.memory_space<vmem>>)
          tpu.yield
        }) : () -> ()
        "tpu.region"() ({
          %run_scoped3A = tpu.sem_alloc : memref<!tpu.dma_semaphore, #tpu.memory_space<semaphore_mem>>
          %dma_start3A_368 = tpu.memref_slice %arg6[%mul3A_367] : memref<10000xf32, #tpu.memory_space<hbm>> -> memref<640xf32, #tpu.memory_space<hbm>>
          %dma_start3A_369 = tpu.memref_slice %arg6[%mul3A_367] : memref<10000xf32, #tpu.memory_space<hbm>> -> memref<640xf32, #tpu.memory_space<hbm>>
          tpu.enqueue_dma source(%arg18 : memref<640xf32, #tpu.memory_space<vmem>>) target(%dma_start3A_369 : memref<640xf32, #tpu.memory_space<hbm>>) target_semaphore(%run_scoped3A : memref<!tpu.dma_semaphore, #tpu.memory_space<semaphore_mem>>)
          %dma_wait3A_370 = tpu.memref_slice %arg6[%mul3A_367] : memref<10000xf32, #tpu.memory_space<hbm>> -> memref<640xf32, #tpu.memory_space<hbm>>
          %dma_wait3A_371 = tpu.memref_slice %arg6[%mul3A_367] : memref<10000xf32, #tpu.memory_space<hbm>> -> memref<640xf32, #tpu.memory_space<hbm>>
          tpu.wait_dma2 semaphore(%run_scoped3A : memref<!tpu.dma_semaphore, #tpu.memory_space<semaphore_mem>>) src(%arg18 : memref<640xf32, #tpu.memory_space<vmem>>) dst(%dma_wait3A_371 : memref<640xf32, #tpu.memory_space<hbm>>)
          tpu.yield
        }) : () -> ()
      } else {
      }
      %eq3A_361 = arith.constant 15 : i32
      %eq3A_362 = arith.cmpi eq, %arg1, %eq3A_361 : i32
      %convert_element_type3A_363 = arith.extui %eq3A_362 : i1 to i32
      %cond3A_364 = arith.constant 0 : i32
      %cond3A_365 = arith.cmpi ne, %convert_element_type3A_363, %cond3A_364 : i32
      scf.if %cond3A_365 {
        "tpu.region"() ({
          %run_scoped3A = tpu.sem_alloc : memref<!tpu.dma_semaphore, #tpu.memory_space<semaphore_mem>>
          %dma_start3A_366 = arith.constant 9600 : i32
          %dma_start3A_367 = arith.constant 0 : i32
          %dma_start3A_368 = tpu.memref_slice %arg5[%dma_start3A_366, %dma_start3A_367] : memref<10000x128xbf16, #tpu.memory_space<hbm>> -> memref<400x128xbf16, #tpu.memory_space<hbm>>
          %dma_start3A_369 = arith.constant 9600 : i32
          %dma_start3A_370 = arith.constant 0 : i32
          %dma_start3A_371 = tpu.memref_slice %arg9[%dma_start3A_369, %dma_start3A_370] : memref<10240x128xbf16, #tpu.memory_space<vmem_shared>> -> memref<400x128xbf16, #tpu.memory_space<vmem_shared>>
          tpu.enqueue_dma source(%dma_start3A_371 : memref<400x128xbf16, #tpu.memory_space<vmem_shared>>) target(%dma_start3A_368 : memref<400x128xbf16, #tpu.memory_space<hbm>>) target_semaphore(%run_scoped3A : memref<!tpu.dma_semaphore, #tpu.memory_space<semaphore_mem>>)
          %dma_wait3A_372 = arith.constant 9600 : i32
          %dma_wait3A_373 = arith.constant 0 : i32
          %dma_wait3A_374 = tpu.memref_slice %arg5[%dma_wait3A_372, %dma_wait3A_373] : memref<10000x128xbf16, #tpu.memory_space<hbm>> -> memref<400x128xbf16, #tpu.memory_space<hbm>>
          %dma_wait3A_375 = arith.constant 9600 : i32
          %dma_wait3A_376 = arith.constant 0 : i32
          %dma_wait3A_377 = tpu.memref_slice %arg9[%dma_wait3A_375, %dma_wait3A_376] : memref<10240x128xbf16, #tpu.memory_space<vmem_shared>> -> memref<400x128xbf16, #tpu.memory_space<vmem_shared>>
          tpu.wait_dma2 semaphore(%run_scoped3A : memref<!tpu.dma_semaphore, #tpu.memory_space<semaphore_mem>>) src(%dma_wait3A_377 : memref<400x128xbf16, #tpu.memory_space<vmem_shared>>) dst(%dma_wait3A_374 : memref<400x128xbf16, #tpu.memory_space<hbm>>)
          tpu.yield
        }) : () -> ()
        "tpu.region"() ({
          %run_scoped3A = tpu.sem_alloc : memref<!tpu.dma_semaphore, #tpu.memory_space<semaphore_mem>>
          %dma_start3A_366 = arith.constant 0 : i32
          %dma_start3A_367 = tpu.memref_slice %arg18[%dma_start3A_366] : memref<640xf32, #tpu.memory_space<vmem>> -> memref<400xf32, #tpu.memory_space<vmem>>
          %dma_start3A_368 = arith.constant 9600 : i32
          %dma_start3A_369 = tpu.memref_slice %arg11[%dma_start3A_368] : memref<10240xf32, #tpu.memory_space<vmem_shared>> -> memref<400xf32, #tpu.memory_space<vmem_shared>>
          %dma_start3A_370 = arith.constant 0 : i32
          %dma_start3A_371 = tpu.memref_slice %arg18[%dma_start3A_370] : memref<640xf32, #tpu.memory_space<vmem>> -> memref<400xf32, #tpu.memory_space<vmem>>
          %dma_start3A_372 = arith.constant 9600 : i32
          %dma_start3A_373 = tpu.memref_slice %arg11[%dma_start3A_372] : memref<10240xf32, #tpu.memory_space<vmem_shared>> -> memref<400xf32, #tpu.memory_space<vmem_shared>>
          tpu.enqueue_dma source(%dma_start3A_373 : memref<400xf32, #tpu.memory_space<vmem_shared>>) target(%dma_start3A_371 : memref<400xf32, #tpu.memory_space<vmem>>) target_semaphore(%run_scoped3A : memref<!tpu.dma_semaphore, #tpu.memory_space<semaphore_mem>>)
          %dma_wait3A_374 = arith.constant 0 : i32
          %dma_wait3A_375 = tpu.memref_slice %arg18[%dma_wait3A_374] : memref<640xf32, #tpu.memory_space<vmem>> -> memref<400xf32, #tpu.memory_space<vmem>>
          %dma_wait3A_376 = arith.constant 9600 : i32
          %dma_wait3A_377 = tpu.memref_slice %arg11[%dma_wait3A_376] : memref<10240xf32, #tpu.memory_space<vmem_shared>> -> memref<400xf32, #tpu.memory_space<vmem_shared>>
          %dma_wait3A_378 = arith.constant 0 : i32
          %dma_wait3A_379 = tpu.memref_slice %arg18[%dma_wait3A_378] : memref<640xf32, #tpu.memory_space<vmem>> -> memref<400xf32, #tpu.memory_space<vmem>>
          %dma_wait3A_380 = arith.constant 9600 : i32
          %dma_wait3A_381 = tpu.memref_slice %arg11[%dma_wait3A_380] : memref<10240xf32, #tpu.memory_space<vmem_shared>> -> memref<400xf32, #tpu.memory_space<vmem_shared>>
          tpu.wait_dma2 semaphore(%run_scoped3A : memref<!tpu.dma_semaphore, #tpu.memory_space<semaphore_mem>>) src(%dma_wait3A_381 : memref<400xf32, #tpu.memory_space<vmem_shared>>) dst(%dma_wait3A_379 : memref<400xf32, #tpu.memory_space<vmem>>)
          tpu.yield
        }) : () -> ()
        "tpu.region"() ({
          %run_scoped3A = tpu.sem_alloc : memref<!tpu.dma_semaphore, #tpu.memory_space<semaphore_mem>>
          %dma_start3A_366 = arith.constant 0 : i32
          %dma_start3A_367 = tpu.memref_slice %arg18[%dma_start3A_366] : memref<640xf32, #tpu.memory_space<vmem>> -> memref<400xf32, #tpu.memory_space<vmem>>
          %dma_start3A_368 = arith.constant 9600 : i32
          %dma_start3A_369 = tpu.memref_slice %arg6[%dma_start3A_368] : memref<10000xf32, #tpu.memory_space<hbm>> -> memref<400xf32, #tpu.memory_space<hbm>>
          %dma_start3A_370 = arith.constant 9600 : i32
          %dma_start3A_371 = tpu.memref_slice %arg6[%dma_start3A_370] : memref<10000xf32, #tpu.memory_space<hbm>> -> memref<400xf32, #tpu.memory_space<hbm>>
          %dma_start3A_372 = arith.constant 0 : i32
          %dma_start3A_373 = tpu.memref_slice %arg18[%dma_start3A_372] : memref<640xf32, #tpu.memory_space<vmem>> -> memref<400xf32, #tpu.memory_space<vmem>>
          tpu.enqueue_dma source(%dma_start3A_373 : memref<400xf32, #tpu.memory_space<vmem>>) target(%dma_start3A_371 : memref<400xf32, #tpu.memory_space<hbm>>) target_semaphore(%run_scoped3A : memref<!tpu.dma_semaphore, #tpu.memory_space<semaphore_mem>>)
          %dma_wait3A_374 = arith.constant 0 : i32
          %dma_wait3A_375 = tpu.memref_slice %arg18[%dma_wait3A_374] : memref<640xf32, #tpu.memory_space<vmem>> -> memref<400xf32, #tpu.memory_space<vmem>>
          %dma_wait3A_376 = arith.constant 9600 : i32
          %dma_wait3A_377 = tpu.memref_slice %arg6[%dma_wait3A_376] : memref<10000xf32, #tpu.memory_space<hbm>> -> memref<400xf32, #tpu.memory_space<hbm>>
          %dma_wait3A_378 = arith.constant 9600 : i32
          %dma_wait3A_379 = tpu.memref_slice %arg6[%dma_wait3A_378] : memref<10000xf32, #tpu.memory_space<hbm>> -> memref<400xf32, #tpu.memory_space<hbm>>
          %dma_wait3A_380 = arith.constant 0 : i32
          %dma_wait3A_381 = tpu.memref_slice %arg18[%dma_wait3A_380] : memref<640xf32, #tpu.memory_space<vmem>> -> memref<400xf32, #tpu.memory_space<vmem>>
          tpu.wait_dma2 semaphore(%run_scoped3A : memref<!tpu.dma_semaphore, #tpu.memory_space<semaphore_mem>>) src(%dma_wait3A_381 : memref<400xf32, #tpu.memory_space<vmem>>) dst(%dma_wait3A_379 : memref<400xf32, #tpu.memory_space<hbm>>)
          tpu.yield
        }) : () -> ()
      } else {
      }
    } else {
    }
    %ne3A_351 = arith.constant 0 : i32
    %ne3A_352 = arith.cmpi ne, %arg0, %ne3A_351 : i32
    %convert_element_type3A_353 = arith.extui %ne3A_352 : i1 to i32
    %cond3A_354 = arith.constant 0 : i32
    %cond3A_355 = arith.cmpi ne, %convert_element_type3A_353, %cond3A_354 : i32
    scf.if %cond3A_355 {
      %lt3A_356 = arith.constant 15 : i32
      %lt3A_357 = arith.cmpi slt, %arg1, %lt3A_356 : i32
      %convert_element_type3A_358 = arith.extui %lt3A_357 : i1 to i32
      %cond3A_359 = arith.constant 0 : i32
      %cond3A_360 = arith.cmpi ne, %convert_element_type3A_358, %cond3A_359 : i32
      scf.if %cond3A_360 {
        %mul3A_366 = arith.constant 640 : i32
        %mul3A_367 = arith.muli %arg1, %mul3A_366 : i32
        "tpu.region"() ({
          %run_scoped3A = tpu.sem_alloc : memref<!tpu.dma_semaphore, #tpu.memory_space<semaphore_mem>>
          %dma_start3A_368 = arith.constant 0 : i32
          %dma_start3A_369 = tpu.memref_slice %arg7[%mul3A_367, %dma_start3A_368] : memref<10000x128xbf16, #tpu.memory_space<hbm>> -> memref<640x128xbf16, #tpu.memory_space<hbm>>
          %dma_start3A_370 = arith.constant 0 : i32
          %dma_start3A_371 = tpu.memref_slice %arg9[%mul3A_367, %dma_start3A_370] : memref<10240x128xbf16, #tpu.memory_space<vmem_shared>> -> memref<640x128xbf16, #tpu.memory_space<vmem_shared>>
          tpu.enqueue_dma source(%dma_start3A_371 : memref<640x128xbf16, #tpu.memory_space<vmem_shared>>) target(%dma_start3A_369 : memref<640x128xbf16, #tpu.memory_space<hbm>>) target_semaphore(%run_scoped3A : memref<!tpu.dma_semaphore, #tpu.memory_space<semaphore_mem>>)
          %dma_wait3A_372 = arith.constant 0 : i32
          %dma_wait3A_373 = tpu.memref_slice %arg7[%mul3A_367, %dma_wait3A_372] : memref<10000x128xbf16, #tpu.memory_space<hbm>> -> memref<640x128xbf16, #tpu.memory_space<hbm>>
          %dma_wait3A_374 = arith.constant 0 : i32
          %dma_wait3A_375 = tpu.memref_slice %arg9[%mul3A_367, %dma_wait3A_374] : memref<10240x128xbf16, #tpu.memory_space<vmem_shared>> -> memref<640x128xbf16, #tpu.memory_space<vmem_shared>>
          tpu.wait_dma2 semaphore(%run_scoped3A : memref<!tpu.dma_semaphore, #tpu.memory_space<semaphore_mem>>) src(%dma_wait3A_375 : memref<640x128xbf16, #tpu.memory_space<vmem_shared>>) dst(%dma_wait3A_373 : memref<640x128xbf16, #tpu.memory_space<hbm>>)
          tpu.yield
        }) : () -> ()
        "tpu.region"() ({
          %run_scoped3A = tpu.sem_alloc : memref<!tpu.dma_semaphore, #tpu.memory_space<semaphore_mem>>
          %dma_start3A_368 = tpu.memref_slice %arg11[%mul3A_367] : memref<10240xf32, #tpu.memory_space<vmem_shared>> -> memref<640xf32, #tpu.memory_space<vmem_shared>>
          %dma_start3A_369 = tpu.memref_slice %arg11[%mul3A_367] : memref<10240xf32, #tpu.memory_space<vmem_shared>> -> memref<640xf32, #tpu.memory_space<vmem_shared>>
          tpu.enqueue_dma source(%dma_start3A_369 : memref<640xf32, #tpu.memory_space<vmem_shared>>) target(%arg18 : memref<640xf32, #tpu.memory_space<vmem>>) target_semaphore(%run_scoped3A : memref<!tpu.dma_semaphore, #tpu.memory_space<semaphore_mem>>)
          %dma_wait3A_370 = tpu.memref_slice %arg11[%mul3A_367] : memref<10240xf32, #tpu.memory_space<vmem_shared>> -> memref<640xf32, #tpu.memory_space<vmem_shared>>
          %dma_wait3A_371 = tpu.memref_slice %arg11[%mul3A_367] : memref<10240xf32, #tpu.memory_space<vmem_shared>> -> memref<640xf32, #tpu.memory_space<vmem_shared>>
          tpu.wait_dma2 semaphore(%run_scoped3A : memref<!tpu.dma_semaphore, #tpu.memory_space<semaphore_mem>>) src(%dma_wait3A_371 : memref<640xf32, #tpu.memory_space<vmem_shared>>) dst(%arg18 : memref<640xf32, #tpu.memory_space<vmem>>)
          tpu.yield
        }) : () -> ()
        "tpu.region"() ({
          %run_scoped3A = tpu.sem_alloc : memref<!tpu.dma_semaphore, #tpu.memory_space<semaphore_mem>>
          %dma_start3A_368 = tpu.memref_slice %arg8[%mul3A_367] : memref<10000xf32, #tpu.memory_space<hbm>> -> memref<640xf32, #tpu.memory_space<hbm>>
          %dma_start3A_369 = tpu.memref_slice %arg8[%mul3A_367] : memref<10000xf32, #tpu.memory_space<hbm>> -> memref<640xf32, #tpu.memory_space<hbm>>
          tpu.enqueue_dma source(%arg18 : memref<640xf32, #tpu.memory_space<vmem>>) target(%dma_start3A_369 : memref<640xf32, #tpu.memory_space<hbm>>) target_semaphore(%run_scoped3A : memref<!tpu.dma_semaphore, #tpu.memory_space<semaphore_mem>>)
          %dma_wait3A_370 = tpu.memref_slice %arg8[%mul3A_367] : memref<10000xf32, #tpu.memory_space<hbm>> -> memref<640xf32, #tpu.memory_space<hbm>>
          %dma_wait3A_371 = tpu.memref_slice %arg8[%mul3A_367] : memref<10000xf32, #tpu.memory_space<hbm>> -> memref<640xf32, #tpu.memory_space<hbm>>
          tpu.wait_dma2 semaphore(%run_scoped3A : memref<!tpu.dma_semaphore, #tpu.memory_space<semaphore_mem>>) src(%arg18 : memref<640xf32, #tpu.memory_space<vmem>>) dst(%dma_wait3A_371 : memref<640xf32, #tpu.memory_space<hbm>>)
          tpu.yield
        }) : () -> ()
      } else {
      }
      %eq3A_361 = arith.constant 15 : i32
      %eq3A_362 = arith.cmpi eq, %arg1, %eq3A_361 : i32
      %convert_element_type3A_363 = arith.extui %eq3A_362 : i1 to i32
      %cond3A_364 = arith.constant 0 : i32
      %cond3A_365 = arith.cmpi ne, %convert_element_type3A_363, %cond3A_364 : i32
      scf.if %cond3A_365 {
        "tpu.region"() ({
          %run_scoped3A = tpu.sem_alloc : memref<!tpu.dma_semaphore, #tpu.memory_space<semaphore_mem>>
          %dma_start3A_366 = arith.constant 9600 : i32
          %dma_start3A_367 = arith.constant 0 : i32
          %dma_start3A_368 = tpu.memref_slice %arg7[%dma_start3A_366, %dma_start3A_367] : memref<10000x128xbf16, #tpu.memory_space<hbm>> -> memref<400x128xbf16, #tpu.memory_space<hbm>>
          %dma_start3A_369 = arith.constant 9600 : i32
          %dma_start3A_370 = arith.constant 0 : i32
          %dma_start3A_371 = tpu.memref_slice %arg9[%dma_start3A_369, %dma_start3A_370] : memref<10240x128xbf16, #tpu.memory_space<vmem_shared>> -> memref<400x128xbf16, #tpu.memory_space<vmem_shared>>
          tpu.enqueue_dma source(%dma_start3A_371 : memref<400x128xbf16, #tpu.memory_space<vmem_shared>>) target(%dma_start3A_368 : memref<400x128xbf16, #tpu.memory_space<hbm>>) target_semaphore(%run_scoped3A : memref<!tpu.dma_semaphore, #tpu.memory_space<semaphore_mem>>)
          %dma_wait3A_372 = arith.constant 9600 : i32
          %dma_wait3A_373 = arith.constant 0 : i32
          %dma_wait3A_374 = tpu.memref_slice %arg7[%dma_wait3A_372, %dma_wait3A_373] : memref<10000x128xbf16, #tpu.memory_space<hbm>> -> memref<400x128xbf16, #tpu.memory_space<hbm>>
          %dma_wait3A_375 = arith.constant 9600 : i32
          %dma_wait3A_376 = arith.constant 0 : i32
          %dma_wait3A_377 = tpu.memref_slice %arg9[%dma_wait3A_375, %dma_wait3A_376] : memref<10240x128xbf16, #tpu.memory_space<vmem_shared>> -> memref<400x128xbf16, #tpu.memory_space<vmem_shared>>
          tpu.wait_dma2 semaphore(%run_scoped3A : memref<!tpu.dma_semaphore, #tpu.memory_space<semaphore_mem>>) src(%dma_wait3A_377 : memref<400x128xbf16, #tpu.memory_space<vmem_shared>>) dst(%dma_wait3A_374 : memref<400x128xbf16, #tpu.memory_space<hbm>>)
          tpu.yield
        }) : () -> ()
        "tpu.region"() ({
          %run_scoped3A = tpu.sem_alloc : memref<!tpu.dma_semaphore, #tpu.memory_space<semaphore_mem>>
          %dma_start3A_366 = arith.constant 0 : i32
          %dma_start3A_367 = tpu.memref_slice %arg18[%dma_start3A_366] : memref<640xf32, #tpu.memory_space<vmem>> -> memref<400xf32, #tpu.memory_space<vmem>>
          %dma_start3A_368 = arith.constant 9600 : i32
          %dma_start3A_369 = tpu.memref_slice %arg11[%dma_start3A_368] : memref<10240xf32, #tpu.memory_space<vmem_shared>> -> memref<400xf32, #tpu.memory_space<vmem_shared>>
          %dma_start3A_370 = arith.constant 0 : i32
          %dma_start3A_371 = tpu.memref_slice %arg18[%dma_start3A_370] : memref<640xf32, #tpu.memory_space<vmem>> -> memref<400xf32, #tpu.memory_space<vmem>>
          %dma_start3A_372 = arith.constant 9600 : i32
          %dma_start3A_373 = tpu.memref_slice %arg11[%dma_start3A_372] : memref<10240xf32, #tpu.memory_space<vmem_shared>> -> memref<400xf32, #tpu.memory_space<vmem_shared>>
          tpu.enqueue_dma source(%dma_start3A_373 : memref<400xf32, #tpu.memory_space<vmem_shared>>) target(%dma_start3A_371 : memref<400xf32, #tpu.memory_space<vmem>>) target_semaphore(%run_scoped3A : memref<!tpu.dma_semaphore, #tpu.memory_space<semaphore_mem>>)
          %dma_wait3A_374 = arith.constant 0 : i32
          %dma_wait3A_375 = tpu.memref_slice %arg18[%dma_wait3A_374] : memref<640xf32, #tpu.memory_space<vmem>> -> memref<400xf32, #tpu.memory_space<vmem>>
          %dma_wait3A_376 = arith.constant 9600 : i32
          %dma_wait3A_377 = tpu.memref_slice %arg11[%dma_wait3A_376] : memref<10240xf32, #tpu.memory_space<vmem_shared>> -> memref<400xf32, #tpu.memory_space<vmem_shared>>
          %dma_wait3A_378 = arith.constant 0 : i32
          %dma_wait3A_379 = tpu.memref_slice %arg18[%dma_wait3A_378] : memref<640xf32, #tpu.memory_space<vmem>> -> memref<400xf32, #tpu.memory_space<vmem>>
          %dma_wait3A_380 = arith.constant 9600 : i32
          %dma_wait3A_381 = tpu.memref_slice %arg11[%dma_wait3A_380] : memref<10240xf32, #tpu.memory_space<vmem_shared>> -> memref<400xf32, #tpu.memory_space<vmem_shared>>
          tpu.wait_dma2 semaphore(%run_scoped3A : memref<!tpu.dma_semaphore, #tpu.memory_space<semaphore_mem>>) src(%dma_wait3A_381 : memref<400xf32, #tpu.memory_space<vmem_shared>>) dst(%dma_wait3A_379 : memref<400xf32, #tpu.memory_space<vmem>>)
          tpu.yield
        }) : () -> ()
        "tpu.region"() ({
          %run_scoped3A = tpu.sem_alloc : memref<!tpu.dma_semaphore, #tpu.memory_space<semaphore_mem>>
          %dma_start3A_366 = arith.constant 0 : i32
          %dma_start3A_367 = tpu.memref_slice %arg18[%dma_start3A_366] : memref<640xf32, #tpu.memory_space<vmem>> -> memref<400xf32, #tpu.memory_space<vmem>>
          %dma_start3A_368 = arith.constant 9600 : i32
          %dma_start3A_369 = tpu.memref_slice %arg8[%dma_start3A_368] : memref<10000xf32, #tpu.memory_space<hbm>> -> memref<400xf32, #tpu.memory_space<hbm>>
          %dma_start3A_370 = arith.constant 9600 : i32
          %dma_start3A_371 = tpu.memref_slice %arg8[%dma_start3A_370] : memref<10000xf32, #tpu.memory_space<hbm>> -> memref<400xf32, #tpu.memory_space<hbm>>
          %dma_start3A_372 = arith.constant 0 : i32
          %dma_start3A_373 = tpu.memref_slice %arg18[%dma_start3A_372] : memref<640xf32, #tpu.memory_space<vmem>> -> memref<400xf32, #tpu.memory_space<vmem>>
          tpu.enqueue_dma source(%dma_start3A_373 : memref<400xf32, #tpu.memory_space<vmem>>) target(%dma_start3A_371 : memref<400xf32, #tpu.memory_space<hbm>>) target_semaphore(%run_scoped3A : memref<!tpu.dma_semaphore, #tpu.memory_space<semaphore_mem>>)
          %dma_wait3A_374 = arith.constant 0 : i32
          %dma_wait3A_375 = tpu.memref_slice %arg18[%dma_wait3A_374] : memref<640xf32, #tpu.memory_space<vmem>> -> memref<400xf32, #tpu.memory_space<vmem>>
          %dma_wait3A_376 = arith.constant 9600 : i32
          %dma_wait3A_377 = tpu.memref_slice %arg8[%dma_wait3A_376] : memref<10000xf32, #tpu.memory_space<hbm>> -> memref<400xf32, #tpu.memory_space<hbm>>
          %dma_wait3A_378 = arith.constant 9600 : i32
          %dma_wait3A_379 = tpu.memref_slice %arg8[%dma_wait3A_378] : memref<10000xf32, #tpu.memory_space<hbm>> -> memref<400xf32, #tpu.memory_space<hbm>>
          %dma_wait3A_380 = arith.constant 0 : i32
          %dma_wait3A_381 = tpu.memref_slice %arg18[%dma_wait3A_380] : memref<640xf32, #tpu.memory_space<vmem>> -> memref<400xf32, #tpu.memory_space<vmem>>
          tpu.wait_dma2 semaphore(%run_scoped3A : memref<!tpu.dma_semaphore, #tpu.memory_space<semaphore_mem>>) src(%dma_wait3A_381 : memref<400xf32, #tpu.memory_space<vmem>>) dst(%dma_wait3A_379 : memref<400xf32, #tpu.memory_space<hbm>>)
          tpu.yield
        }) : () -> ()
      } else {
      }
    } else {
    }
    return
  }
}

module attributes {stable_mosaic.version = 14 : i64} {
  func.func @body(%arg0: i32, %arg1: memref<1000x128xf32, #tpu.memory_space<vmem>>, %arg2: memref<1000x128xbf16, #tpu.memory_space<vmem>>, %arg3: memref<1000x1xf32, #tpu.memory_space<vmem>>, %arg4: memref<1000x128xbf16, #tpu.memory_space<vmem>>, %arg5: memref<1000x1xf32, #tpu.memory_space<vmem>>, %arg6: memref<128x128xf32, #tpu.memory_space<vmem>>, %arg7: memref<128x128xf32, #tpu.memory_space<vmem>>, %arg8: memref<128x128xf32, #tpu.memory_space<vmem>>, %arg9: memref<1x128xf32, #tpu.memory_space<vmem>>, %arg10: memref<1x128xf32, #tpu.memory_space<vmem>>, %arg11: memref<1x128xf32, #tpu.memory_space<vmem>>, %arg12: memref<1000x128xf32, #tpu.memory_space<vmem>>) attributes {dimension_semantics = [#tpu.dimension_semantics<arbitrary>], iteration_bounds = array<i64: 10>, scalar_prefetch = 0 : i64, scratch_operands = 0 : i64, tpu.core_type = #tpu.core_type<tc>, window_params = [{transform_indices = @transform_0, window_bounds = array<i64: 1000, 128>}, {transform_indices = @transform_1, window_bounds = array<i64: 1000, 128>}, {transform_indices = @transform_2, window_bounds = array<i64: 1000, 1>}, {transform_indices = @transform_3, window_bounds = array<i64: 1000, 128>}, {transform_indices = @transform_4, window_bounds = array<i64: 1000, 1>}, {pipeline_mode = #tpu.pipeline_mode<synchronous>, transform_indices = @transform_5, window_bounds = array<i64: 128, 128>}, {pipeline_mode = #tpu.pipeline_mode<synchronous>, transform_indices = @transform_6, window_bounds = array<i64: 128, 128>}, {pipeline_mode = #tpu.pipeline_mode<synchronous>, transform_indices = @transform_7, window_bounds = array<i64: 128, 128>}, {pipeline_mode = #tpu.pipeline_mode<synchronous>, transform_indices = @transform_8, window_bounds = array<i64: 1, 128>}, {pipeline_mode = #tpu.pipeline_mode<synchronous>, transform_indices = @transform_9, window_bounds = array<i64: 1, 128>}, {pipeline_mode = #tpu.pipeline_mode<synchronous>, transform_indices = @transform_10, window_bounds = array<i64: 1, 128>}, {transform_indices = @transform_11, window_bounds = array<i64: 1000, 128>}]} {
    %get3A = arith.constant 0 : index
    %get3A_0 = arith.constant 0 : index
    %get3A_1 = vector.load %arg3[%get3A, %get3A_0] : memref<1000x1xf32, #tpu.memory_space<vmem>>, vector<1000x1xf32>
    %max3A = arith.constant 1.000000e+00 : f32
    %max3A_2 = vector.broadcast %max3A : f32 to vector<1000x1xf32>
    %max3A_3 = arith.maximumf %get3A_1, %max3A_2 : vector<1000x1xf32>
    %div3A = arith.constant 5.000000e-01 : f32
    %div3A_4 = vector.broadcast %div3A : f32 to vector<1000x1xf32>
    %div3A_5 = arith.divf %div3A_4, %max3A_3 : vector<1000x1xf32>
    %get3A_6 = arith.constant 0 : index
    %get3A_7 = arith.constant 0 : index
    %get3A_8 = vector.load %arg5[%get3A_6, %get3A_7] : memref<1000x1xf32, #tpu.memory_space<vmem>>, vector<1000x1xf32>
    %max3A_9 = arith.constant 1.000000e+00 : f32
    %max3A_10 = vector.broadcast %max3A_9 : f32 to vector<1000x1xf32>
    %max3A_11 = arith.maximumf %get3A_8, %max3A_10 : vector<1000x1xf32>
    %div3A_12 = arith.constant 5.000000e-01 : f32
    %div3A_13 = vector.broadcast %div3A_12 : f32 to vector<1000x1xf32>
    %div3A_14 = arith.divf %div3A_13, %max3A_11 : vector<1000x1xf32>
    %get3A_15 = arith.constant 0 : index
    %get3A_16 = arith.constant 0 : index
    %get3A_17 = vector.load %arg1[%get3A_15, %get3A_16] : memref<1000x128xf32, #tpu.memory_space<vmem>>, vector<1000x128xf32>
    %get3A_18 = arith.constant 0 : index
    %get3A_19 = arith.constant 0 : index
    %get3A_20 = vector.load %arg6[%get3A_18, %get3A_19] : memref<128x128xf32, #tpu.memory_space<vmem>>, vector<128x128xf32>
    %dot_general3A = arith.constant dense<0.000000e+00> : vector<1000x128xf32>
    %dot_general3A_21 = tpu.matmul %get3A_17, %get3A_20, %dot_general3A {dimension_numbers = #tpu.dot_dimension_numbers<[1], [0], [0], [1], [0, 0, 1, 1], [], []>, transpose_lhs_hint = false} : vector<1000x128xf32>, vector<128x128xf32>, vector<1000x128xf32> -> vector<1000x128xf32>
    %get3A_22 = arith.constant 0 : index
    %get3A_23 = arith.constant 0 : index
    %get3A_24 = vector.load %arg2[%get3A_22, %get3A_23] : memref<1000x128xbf16, #tpu.memory_space<vmem>>, vector<1000x128xbf16>
    %convert_element_type3A = arith.extf %get3A_24 : vector<1000x128xbf16> to vector<1000x128xf32>
    %get3A_25 = arith.constant 0 : index
    %get3A_26 = arith.constant 0 : index
    %get3A_27 = vector.load %arg7[%get3A_25, %get3A_26] : memref<128x128xf32, #tpu.memory_space<vmem>>, vector<128x128xf32>
    %dot_general3A_28 = arith.constant dense<0.000000e+00> : vector<1000x128xf32>
    %dot_general3A_29 = tpu.matmul %convert_element_type3A, %get3A_27, %dot_general3A_28 {dimension_numbers = #tpu.dot_dimension_numbers<[1], [0], [0], [1], [0, 0, 1, 1], [], []>, transpose_lhs_hint = false} : vector<1000x128xf32>, vector<128x128xf32>, vector<1000x128xf32> -> vector<1000x128xf32>
    %mul3A = vector.broadcast %div3A_5 : vector<1000x1xf32> to vector<1000x128xf32>
    %mul3A_30 = arith.mulf %dot_general3A_29, %mul3A : vector<1000x128xf32>
    %add3A = arith.addf %dot_general3A_21, %mul3A_30 : vector<1000x128xf32>
    %get3A_31 = arith.constant 0 : index
    %get3A_32 = arith.constant 0 : index
    %get3A_33 = vector.load %arg4[%get3A_31, %get3A_32] : memref<1000x128xbf16, #tpu.memory_space<vmem>>, vector<1000x128xbf16>
    %convert_element_type3A_34 = arith.extf %get3A_33 : vector<1000x128xbf16> to vector<1000x128xf32>
    %get3A_35 = arith.constant 0 : index
    %get3A_36 = arith.constant 0 : index
    %get3A_37 = vector.load %arg8[%get3A_35, %get3A_36] : memref<128x128xf32, #tpu.memory_space<vmem>>, vector<128x128xf32>
    %dot_general3A_38 = arith.constant dense<0.000000e+00> : vector<1000x128xf32>
    %dot_general3A_39 = tpu.matmul %convert_element_type3A_34, %get3A_37, %dot_general3A_38 {dimension_numbers = #tpu.dot_dimension_numbers<[1], [0], [0], [1], [0, 0, 1, 1], [], []>, transpose_lhs_hint = false} : vector<1000x128xf32>, vector<128x128xf32>, vector<1000x128xf32> -> vector<1000x128xf32>
    %mul3A_40 = vector.broadcast %div3A_14 : vector<1000x1xf32> to vector<1000x128xf32>
    %mul3A_41 = arith.mulf %dot_general3A_39, %mul3A_40 : vector<1000x128xf32>
    %add3A_42 = arith.addf %add3A, %mul3A_41 : vector<1000x128xf32>
    %get3A_43 = arith.constant 0 : index
    %get3A_44 = arith.constant 0 : index
    %get3A_45 = vector.load %arg9[%get3A_43, %get3A_44] : memref<1x128xf32, #tpu.memory_space<vmem>>, vector<1x128xf32>
    %get3A_46 = arith.constant 0 : index
    %get3A_47 = arith.constant 0 : index
    %get3A_48 = vector.load %arg10[%get3A_46, %get3A_47] : memref<1x128xf32, #tpu.memory_space<vmem>>, vector<1x128xf32>
    %mul3A_49 = arith.constant 5.000000e-01 : f32
    %mul3A_50 = vector.broadcast %mul3A_49 : f32 to vector<1x128xf32>
    %mul3A_51 = arith.mulf %mul3A_50, %get3A_48 : vector<1x128xf32>
    %add3A_52 = arith.addf %get3A_45, %mul3A_51 : vector<1x128xf32>
    %get3A_53 = arith.constant 0 : index
    %get3A_54 = arith.constant 0 : index
    %get3A_55 = vector.load %arg11[%get3A_53, %get3A_54] : memref<1x128xf32, #tpu.memory_space<vmem>>, vector<1x128xf32>
    %mul3A_56 = arith.constant 5.000000e-01 : f32
    %mul3A_57 = vector.broadcast %mul3A_56 : f32 to vector<1x128xf32>
    %mul3A_58 = arith.mulf %mul3A_57, %get3A_55 : vector<1x128xf32>
    %add3A_59 = arith.addf %add3A_52, %mul3A_58 : vector<1x128xf32>
    %add3A_60 = vector.broadcast %add3A_59 : vector<1x128xf32> to vector<1000x128xf32>
    %add3A_61 = arith.addf %add3A_42, %add3A_60 : vector<1000x128xf32>
    %swap3A = arith.constant 0 : index
    %swap3A_62 = arith.constant 0 : index
    %swap3A_63 = vector.load %arg12[%swap3A, %swap3A_62] : memref<1000x128xf32, #tpu.memory_space<vmem>>, vector<1000x128xf32>
    tpu.vector_store %arg12[%swap3A, %swap3A_62], %add3A_61 {strides = array<i32>} : memref<1000x128xf32, #tpu.memory_space<vmem>>, vector<1000x128xf32>,
    return
  }
  func.func @transform_0(%arg0: i32) -> (i32, i32) {
    %c0_i32 = arith.constant 0 : i32
    %c0_i32_0 = arith.constant 0 : i32
    return %arg0, %c0_i32 : i32, i32
  }
  func.func @transform_1(%arg0: i32) -> (i32, i32) {
    %c0_i32 = arith.constant 0 : i32
    %c0_i32_0 = arith.constant 0 : i32
    return %arg0, %c0_i32 : i32, i32
  }
  func.func @transform_2(%arg0: i32) -> (i32, i32) {
    %c0_i32 = arith.constant 0 : i32
    %c0_i32_0 = arith.constant 0 : i32
    return %arg0, %c0_i32 : i32, i32
  }
  func.func @transform_3(%arg0: i32) -> (i32, i32) {
    %c0_i32 = arith.constant 0 : i32
    %c0_i32_0 = arith.constant 0 : i32
    return %arg0, %c0_i32 : i32, i32
  }
  func.func @transform_4(%arg0: i32) -> (i32, i32) {
    %c0_i32 = arith.constant 0 : i32
    %c0_i32_0 = arith.constant 0 : i32
    return %arg0, %c0_i32 : i32, i32
  }
  func.func @transform_5(%arg0: i32) -> (i32, i32) {
    %c0_i32 = arith.constant 0 : i32
    %c0_i32_0 = arith.constant 0 : i32
    %c0_i32_1 = arith.constant 0 : i32
    return %c0_i32, %c0_i32_0 : i32, i32
  }
  func.func @transform_6(%arg0: i32) -> (i32, i32) {
    %c0_i32 = arith.constant 0 : i32
    %c0_i32_0 = arith.constant 0 : i32
    %c0_i32_1 = arith.constant 0 : i32
    return %c0_i32, %c0_i32_0 : i32, i32
  }
  func.func @transform_7(%arg0: i32) -> (i32, i32) {
    %c0_i32 = arith.constant 0 : i32
    %c0_i32_0 = arith.constant 0 : i32
    %c0_i32_1 = arith.constant 0 : i32
    return %c0_i32, %c0_i32_0 : i32, i32
  }
  func.func @transform_8(%arg0: i32) -> (i32, i32) {
    %c0_i32 = arith.constant 0 : i32
    %c0_i32_0 = arith.constant 0 : i32
    %c0_i32_1 = arith.constant 0 : i32
    return %c0_i32, %c0_i32_0 : i32, i32
  }
  func.func @transform_9(%arg0: i32) -> (i32, i32) {
    %c0_i32 = arith.constant 0 : i32
    %c0_i32_0 = arith.constant 0 : i32
    %c0_i32_1 = arith.constant 0 : i32
    return %c0_i32, %c0_i32_0 : i32, i32
  }
  func.func @transform_10(%arg0: i32) -> (i32, i32) {
    %c0_i32 = arith.constant 0 : i32
    %c0_i32_0 = arith.constant 0 : i32
    %c0_i32_1 = arith.constant 0 : i32
    return %c0_i32, %c0_i32_0 : i32, i32
  }
  func.func @transform_11(%arg0: i32) -> (i32, i32) {
    %c0_i32 = arith.constant 0 : i32
    %c0_i32_0 = arith.constant 0 : i32
    return %arg0, %c0_i32 : i32, i32
  }
}

</mosaic_0001>

<sc_bundles>
// kernel: kernel.4.cloned.1.call-start
scs
__scs_entry_jumppad:
0x0: {  	(pc) =	sbr.rel $0x88, $3  }
0x1: {  	(tag) =	ssettag $0x0;
	lr =	simm.s32 $0x1  }
0x2: {  	[smem:$0x3F99] =	sst lr;
	_ =	strace $0xD0000000  }
0x3: {  	_ = 	snop  }
0x4: {  	_ = 	snop  }
0x5: {  	_ = 	snop  }
0x6: {  	_ = 	snop  }
0x7: {  	_ = 	snop  }
__scs_overlays_trampoline_lowered:
0x8: {  	[smem:$0x3FA8] =	sst s0  }
0x9: {  	[smem:$0x3FA9] =	sst s1  }
0xa: {  	[smem:$0x3FAA] =	sst s2  }
0xb: {  	[smem:$0x3FAB] =	sst s3  }
0xc: {  	[smem:$0x3FAC] =	sst s4  }
0xd: {  	[smem:$0x3FAD] =	sst s5  }
0xe: {  	[smem:$0x3FAE] =	sst s6  }
0xf: {  	[smem:$0x3FAF] =	sst s7  }
0x10: {  	[smem:$0x3FB0] =	sst s8  }
0x11: {  	[smem:$0x3FB1] =	sst s9;
	s0 =	simm.s32 @!p0 $0x0  }
0x12: {  	s1 =	sld [smem:$0x3F97];
	s0 =	simm.s32 @p0 $0x1  }
0x13: {  	[smem:$0x3FB2] =	sst s0;
	s0 =	simm.s32 @!p1 $0x0  }
0x14: {  	s2 =	sld [smem:$0x3F96];
	s0 =	simm.s32 @p1 $0x1  }
0x15: {  	[smem:$0x3FB3] =	sst s0;
	s0 =	simm.s32 @!p2 $0x0  }
0x16: {  	s3 =	sld [smem:$0x3FDB];
	s0 =	simm.s32 @p2 $0x1  }
0x17: {  	s4 =	simm.s32 $0x1BF5;
	[smem:$0x3FB5] =	sst s0  }
0x18: {  	s0 =	sld [smem:$0x3F98];
	_ =	swait.ge [sflag:s4], $0x0  }
0x19: {  	s7 =	sld [smem:$0x3F99]  }
0x1a: {  	s8 =	sadd.s32 $0xFFFFE003, lr  }
0x1b: {  	s9 =	sadd.s32 $0xFFFFFEF7, lr;
	s5 =	simm.s32 $0xFFFFFFFF;
	p2 =	slt.u32 s8, $0xFFFFF086  }
0x1c: {  	p1 =	slt.u32 s9, $0xF7A;
	s5 =	simm.s32 @!p2 $0x0  }
0x1d: {  	s5 =	simm.s32 @p1 $0x1;
	p0 =	seq.s32 s7, s2  }
0x1e: {  	s7 =	smul.u32 @!p0 $0xF7A, s2;
	p2 =	seq.s32 @!p0 s5, $0x0  }
0x1f: {  	s9 =	smul.u32 $0xF7A, s1;
	s8 =	simm.s32 @!p0 $0x1BF5;
	p2 =	por !p2, p0  }
0x20: {  	[sflag:s8] =	ssyncset.s32 @!p0 $0xFFFFF086;
	s6 =	sadd.s32 @!p0 s3, s7;
	s7 =	simm.s32 @!p0 $0x108  }
0x21: {  	s3 =	sadd.s32 s3, s9;
	s6 =	sadd.s32 @!p0 $0x88, s6;
	s7 =	simm.s32 @p2 $0x1082  }
0x22: {  	[simem:s7], [sflag:s8] =	dma.local @!p0 [hbm:s6], $0xF7A  }
0x23: {  	s9 =	sor.u32 $0xD0000000, s2;
	s6 =	simm.s32 $0x108;
	_ =	swait.ge @!p0 [sflag:s8], $0x0  }
0x24: {  	s3 =	sadd.s32 $0x88, s3;
	s6 =	simm.s32 @!p1 $0x1082;
	[sflag:s4] =	ssyncset.s32 $0xFFFFF086  }
0x25: {  	[simem:s6], [sflag:s4] =	dma.local [hbm:s3], $0xF7A  }
0x26: {  	[smem:$0x3F99] =	sst s1;
	(tag) =	ssettag s2;
	_ =	strace s9  }
0x27: {  	s1 =	sld [smem:$0x3FA9]  }
0x28: {  	s2 =	sld [smem:$0x3FAA]  }
0x29: {  	s4 =	sld [smem:$0x3FAC]  }
0x2a: {  	p0 =	seq.s32 s5, $0x0;
	s5 =	sld [smem:$0x3FAD]  }
0x2b: {  	s6 =	sld [smem:$0x3FAE]  }
0x2c: {  	s7 =	sld [smem:$0x3FAF]  }
0x2d: {  	s3 =	simm.s32 $0x108;
	s8 =	sld [smem:$0x3FB0]  }
0x2e: {  	s3 =	simm.s32 @!p0 $0x1082;
	s9 =	sld [smem:$0x3FB1]  }
0x2f: {  	lr =	sadd.s32 s0, s3;
	s0 =	sld [smem:$0x3FA8]  }
0x30: {  	s3 =	sld [smem:$0x3FAB]  }
0x31: {  	[smem:$0x3FB4] =	sst s10  }
0x32: {  	s10 =	sld [smem:$0x3FB2];
	_ =	sdelay $0x3  }
0x33: {  	p0 =	seq.s32 s10, $0x1;
	s10 =	sld [smem:$0x3FB4];
	_ =	sdelay $0x3  }
0x34: {  	[smem:$0x3FB4] =	sst s10  }
0x35: {  	s10 =	sld [smem:$0x3FB3];
	_ =	sdelay $0x3  }
0x36: {  	p1 =	seq.s32 s10, $0x1;
	s10 =	sld [smem:$0x3FB4];
	_ =	sdelay $0x3  }
0x37: {  	[smem:$0x3FB4] =	sst s10  }
0x38: {  	s10 =	sld [smem:$0x3FB5]  }
0x39: {  	_ = 	snop;
	(pc) =	sbr.ind lr, $3  }
0x3a: {  	_ = 	snop  }
0x3b: {  	_ = 	snop  }
0x3c: {  	p2 =	seq.s32 s10, $0x1;
	s10 =	sld [smem:$0x3FB4]  }
0x3d: {  	_ =	shalt  }
0x3e: {  	_ =	shalt  }
0x3f: {  	_ =	shalt  }
0x40: {  	_ =	shalt  }
0x41: {  	_ =	shalt  }
0x42: {  	_ =	shalt  }
0x43: {  	_ =	shalt  }
0x44: {  	_ =	shalt  }
0x45: {  	_ =	shalt  }
0x46: {  	_ =	shalt  }
0x47: {  	_ =	shalt  }
0x48: {  	_ =	shalt  }
0x49: {  	_ =	shalt  }
0x4a: {  	_ =	shalt  }
0x4b: {  	_ =	shalt  }
0x4c: {  	_ =	shalt  }
0x4d: {  	_ =	shalt  }
0x4e: {  	_ =	shalt  }
0x4f: {  	_ =	shalt  }
0x50: {  	_ =	shalt  }
0x51: {  	_ =	shalt  }
0x52: {  	_ =	shalt  }
0x53: {  	_ =	shalt  }
0x54: {  	_ =	shalt  }
0x55: {  	_ =	shalt  }
0x56: {  	_ =	shalt  }
0x57: {  	_ =	shalt  }
0x58: {  	_ =	shalt  }
0x59: {  	_ =	shalt  }
0x5a: {  	_ =	shalt  }
0x5b: {  	_ =	shalt  }
0x5c: {  	_ =	shalt  }
0x5d: {  	_ =	shalt  }
0x5e: {  	_ =	shalt  }
0x5f: {  	_ =	shalt  }
0x60: {  	_ =	shalt  }
0x61: {  	_ =	shalt  }
0x62: {  	_ =	shalt  }
0x63: {  	_ =	shalt  }
0x64: {  	_ =	shalt  }
0x65: {  	_ =	shalt  }
0x66: {  	_ =	shalt  }
0x67: {  	_ =	shalt  }
0x68: {  	_ =	shalt  }
0x69: {  	_ =	shalt  }
0x6a: {  	_ =	shalt  }
0x6b: {  	_ =	shalt  }
0x6c: {  	_ =	shalt  }
0x6d: {  	_ =	shalt  }
0x6e: {  	_ =	shalt  }
0x6f: {  	_ =	shalt  }
0x70: {  	_ =	shalt  }
0x71: {  	_ =	shalt  }
0x72: {  	_ =	shalt  }
0x73: {  	_ =	shalt  }
0x74: {  	_ =	shalt  }
0x75: {  	_ =	shalt  }
0x76: {  	_ =	shalt  }
0x77: {  	_ =	shalt  }
0x78: {  	_ =	shalt  }
0x79: {  	_ =	shalt  }
0x7a: {  	_ =	shalt  }
0x7b: {  	_ =	shalt  }
0x7c: {  	_ =	shalt  }
0x7d: {  	_ =	shalt  }
0x7e: {  	_ =	shalt  }
0x7f: {  	_ =	shalt  }
0x80: {  	_ =	shalt  }
0x81: {  	_ =	shalt  }
0x82: {  	_ =	shalt  }
0x83: {  	_ =	shalt  }
0x84: {  	_ =	shalt  }
0x85: {  	_ =	shalt  }
0x86: {  	_ =	shalt  }
0x87: {  	_ =	shalt  }
.Lfunc_end0:
.L_simem_size_0:
called_computation_lowered:
.L_overlay_start_0:
0x88: {  	s2 =	sld [smem:$0x3FD9]  }
0x89: {  	s3 =	sld [smem:$0x3FFE];
	_ =	sdelay $0x1  }
0x8a: {  	s1 =	srdreg.scid  }
0x8b: {  	s0 =	sand.u32 $0x1, s1  }
0x8c: {  	s17 =	sshll.u32 s0, $0xA;
	s2 =	sadd.s32 s3, s2  }
0x8d: {  	s2 =	sadd.s32 s2, s17  }
0x8e: {  	[smem:$0x3FC0] =	sst s2  }
0x8f: {  	_ = 	snop  }
0x90: {  	s2 =	sld [smem:$0x3FD0];
	(tm) =	ssettm $0x1  }
0x91: {  	s18 =	sld [smem:$0x3FFB];
	_ =	sdelay $0x3  }
0x92: {  	_ =	strace s18  }
0x93: {  	s3 =	sld [smem:$0x3FFC];
	_ =	sdelay $0x3  }
0x94: {  	_ =	strace s3  }
0x95: {  	s3 =	sld [smem:$0x3FFD];
	_ =	sdelay $0x3  }
0x96: {  	_ =	strace s3  }
0x97: {  	_ =	strace $0x8FFFFFFF  }
0x98: {  	s19 =	sld [smem:$0x3FDB];
	_ =	sdelay $0x1  }
0x99: {  	s4 =	simm.s32 $_scs_section_size  }
0x9a: {  	s5 =	simm.s32 $_size__tile_overlayer_lowered;
	s6 =	simm.s32 $_tile_overlayer_lowered  }
0x9b: {  	s22 =	simm.s32 $0x1BFF;
	s21 =	sshll.u32 s6, $0x1;
	s3 =	sadd.s32 s4, s19  }
0x9c: {  	s7 =	simm.s32 $0x0;
	s20 =	sshll.u32 s5, $0x1;
	s5 =	sadd.s32 s21, s3  }
0x9d: {  	[timem:s7], [sflag:s22] =	dma.local [hbm:s5], s20  }
0x9e: {  	_ =	swait.ge [sflag:s22], s20  }
0x9f: {  	s4 =	ssub.s32 $0x0, s20;
	[sflag:s22] =	ssyncset.done $0x0  }
0xa0: {  	[sflag:s22] =	ssyncadd.s32 s4;
	_ =	sdelay $0x1  }
0xa1: {  	s23 =	simm.s32 $0x1B8B  }
0xa2: {  	_ =	swait.ge [sflag:s23], $0x1  }
0xa3: {  	[sflag:s23] =	ssyncset.done $0x0  }
0xa4: {  	s25 =	simm.s32 $0x1B8E;
	s24 =	sld [smem:$0x3FFE];
	[sflag:s23] =	ssyncadd.s32 $0xFFFFFFFF  }
0xa5: {  	s26 =	simm.s32 $execute0_lowered;
	[smem:$0x3FD2] =	sst s25  }
0xa6: {  	s5 =	sshll.u32 s26, $0x1;
	_ =	strace $0x80000046;
	[dreg:$0x1] =	wrdreg $0xFFFFFFFF  }
0xa7: {  	s28 =	simm.s32 $_size_execute0_lowered;
	s3 =	sadd.s32 s3, s5;
	[dreg:$0x0] =	wrdreg $0x0  }
0xa8: {  	s5 =	sshll.u32 s28, $0x1;
	[dreg:$0x2] =	wrdreg s3  }
0xa9: {  	[dreg:$0x3] =	wrdreg s5  }
0xaa: {  	[dreg:$0x4] =	wrdreg $0xC0  }
0xab: {  	_ =	task [dreg:s7], $0x5FFFF  }
0xac: {  	[dreg:$0x1] =	wrdreg $0xFFFFFFFF  }
0xad: {  	[dreg:$0x0] =	wrdreg $0x60  }
0xae: {  	[dreg:$0x2] =	wrdreg s2  }
0xaf: {  	[dreg:$0x3] =	wrdreg s24  }
0xb0: {  	[dreg:$0x4] =	wrdreg $0xA0000  }
0xb1: {  	[dreg:$0x5] =	wrdreg $0x0  }
0xb2: {  	[dreg:$0x6] =	wrdreg $0x13C600  }
0xb3: {  	[dreg:$0x7] =	wrdreg $0x9  }
0xb4: {  	_ =	task.clear_ibuf [dreg:s7], $0x8FFFF;
	_ =	strace $0x90000046  }
0xb5: {  	s29 =	simm.s32 $0x9;
	_ =	strace $0x80000048  }
0xb6: {  	_ =	swait.ge [sflag:s29], $0x1  }
0xb7: {  	[sflag:s29] =	ssyncadd.s32 $0xFFFFFFFF  }
0xb8: {  	_ =	strace $0x90000048  }
0xb9: {  	_ =	sfence  }
0xba: {  	s30 =	sld [smem:$0x0];
	_ =	sdelay $0x2  }
0xbb: {  	s31 =	sshll.u32 s1, $0xD;
	s1 =	sshrl.u32 s1, $0x2  }
0xbc: {  	s3 =	sand.u32 $0x4000, s31;
	s1 =	sadd.s32 s1, s30  }
0xbd: {  	s0 =	sor.u32 s3, s0;
	s1 =	sshll.u32 s1, $0x11  }
0xbe: {  	s0 =	sor.u32 s1, s0  }
0xbf: {  	s0 =	sadd.s32 $0x8F2B, s0  }
0xc0: {  	[sflag:s0] =	ssyncadd.remote.s32 $0x1  }
0xc1: {  	_ =	sfence.sel $0xFFFF  }
0xc2: {  	[dreg:$0x0] =	wrdreg $0xFFFFFFFF;
	(pc) =	sbr.abs _section_cstart, $3  }
0xc3: {  	[dreg:$0x1] =	wrdreg $0xFFFFFFFF  }
0xc4: {  	_ =	task.clear_ibuf [dreg:s7], $0x2FFFF;
	_ =	strace $0x9FFFFFFF  }
0xc5: {  	(tm) =	ssettm $0x7FFFFFFF  }
tec
execute0_lowered:
.L_overlay_start_1:
0x0: {  	(tag) =	ssettag $0x1  }
0x1: {  	s0 =	rddreg [dreg:$0x0]  }
0x2: {  	s6 =	rddreg [dreg:$0x1]  }
0x3: {  	s1 =	rddreg [dreg:$0x2]  }
0x4: {  	s2 =	rddreg [dreg:$0x3];
	s3 =	stileid.u32  }
0x5: {  	s4 =	rddreg [dreg:$0x4];
	s5 =	simm.s32 $0x0;
	s7 =	smul.u32 $0x14000, s3  }
0x6: {  	s8 =	srdreg.scid;
	s29 =	simm.s32 $0x3;
	s9 =	smul.u32 $0x280, s3  }
0x7: {  	s30 =	simm.s32 $0x6;
	s31 =	simm.s32 $0x191E0;
	s20 =	smul.u32 $0x28000, s3  }
0x8: {  	[smem:$0x7FF] =	sst s5;
	s11 =	sadd.s32 $0xC400, s6;
	s21 =	smul.u32 $0x5400, s3  }
0x9: {  	s12 =	sadd.s32 $0x1C00, s6;
	s13 =	sand.u32 $0x1, s8;
	s23 =	smul.u32 $0xA80, s3  }
0xa: {  	s28 =	sadd.s32 $0x2580, s4;
	_ =	strace $0x80000047;
	s14 =	ssub.s32 $0x2, s13  }
0xb: {  	p0 =	seq.s32 s13, $0x0;
	p4 =	sne.s32 s13, $0x0;
	s13 =	simm.s32 $0x13EE0  }
0xc: {  	s10 =	sshrl.u32 s7, $0x4;
	s18 =	sshrl.u32 s9, $0x3;
	s19 =	sshrl.u32 s14, $0x1  }
0xd: {  	s7 =	sshrl.u32 s7, $0x1;
	s22 =	sshrl.u32 s20, $0x2;
	s9 =	sadd.s32 s9, s4  }
0xe: {  	s24 =	sshrl.u32 s21, $0x3;
	s20 =	sadd.s32 s12, s23;
	p2 =	seq.s32 @p4 s3, $0xF  }
0xf: {  	p5 =	seq.s32 @!p4 s3, $0xF;
	s15 =	sadd.s32 s10, s6;
	s16 =	sadd.s32 s18, s6  }
0x10: {  	s17 =	ssub.s32 s14, s19;
	s18 =	sadd.s32 s7, s1;
	s10 =	sadd.s32 s0, s10  }
0x11: {  	s19 =	sadd.s32 $0x96000, s1;
	s0 =	sadd.s32 $0x12C00, s0;
	s8 =	sadd.s32 s22, s2  }
0x12: {  	s14 =	sadd.s32 s7, s2;
	p1 =	por !p2, !p4;
	p2 =	por p2, !p4  }
0x13: {  	p3 =	por !p5, p4;
	p4 =	por p5, p4;
	[dreg:$0x6] =	wrdreg s10  }
0x14: {  	s7 =	simm.s32 $0x8;
	[dreg:$0x7] =	wrdreg s0;
	s25 =	sadd.s32 $0x2A600, s15  }
0x15: {  	s0 =	sadd.s32 $0x540, s24;
	s26 =	sadd.s32 $0x3E600, s16;
	[dreg:$0xa] =	wrdreg s25  }
0x16: {  	s10 =	sadd.s32 s11, s23;
	s21 =	smax.u32 s17, $0x1;
	[dreg:$0xc] =	wrdreg s26  }
0x17: {  	s22 =	sadd.s32 $0x2000, s8;
	s23 =	sadd.s32 $0x4000, s8;
	[dreg:$0x14] =	wrdreg s21  }
0x18: {  	s24 =	sadd.s32 $0x6000, s8;
	s17 =	simm.s32 $0x80;
	[dreg:$0x17] =	wrdreg s22  }
0x19: {  	s12 =	sadd.s32 s12, s0;
	s11 =	sadd.s32 s11, s0;
	[dreg:$0x18] =	wrdreg s23  }
0x1a: {  	s0 =	smov.u32 s20;
	[dreg:$0x19] =	wrdreg s24;
	s25 =	sadd.s32 $0x8000, s8  }
0x1b: {  	s26 =	sadd.s32 $0x96000, s2;
	s0 =	smov.u32 @p0 s10;
	[dreg:$0x1a] =	wrdreg s25  }
0x1c: {  	s21 =	simm.s32 $0x1D2E0;
	s10 =	smov.u32 @p0 s20;
	[dreg:$0x9] =	wrdreg s0  }
0x1d: {  	s22 =	simm.s32 $0x1;
	s20 =	sadd.s32 $0x3E4B0, s6;
	[dreg:$0x8] =	wrdreg s10  }
0x1e: {  	s0 =	smov.u32 s12;
	s10 =	sadd.s32 $0x3D200, s6;
	[dreg:$0x13] =	wrdreg s20  }
0x1f: {  	s23 =	simm.s32 $0x1F2E0;
	s0 =	smov.u32 @p0 s11;
	[dreg:$0xe] =	wrdreg s10  }
0x20: {  	s24 =	simm.s32 $0x4;
	s11 =	smov.u32 @p0 s12;
	[dreg:$0xb] =	wrdreg s0  }
0x21: {  	s25 =	simm.s32 $0x2;
	s12 =	sadd.s32 $0x16C00, s15;
	[dreg:$0xd] =	wrdreg s11  }
0x22: {  	s20 =	simm.s32 $0x7;
	s15 =	sadd.s32 $0x3E000, s16;
	[dreg:$0x10] =	wrdreg s12  }
0x23: {  	s16 =	sadd.s32 $0x29800, s6;
	p0 =	seq.s32 s3, $0xF;
	[dreg:$0x11] =	wrdreg s15  }
0x24: {  	s11 =	sadd.s32 $0x3EAB0, s6;
	[dreg:$0x12] =	wrdreg s16;
	s0 =	sshrl.u32 @p0 s19, $0x3  }
0x25: {  	s6 =	simm.s32 $0x192E0;
	s19 =	simm.s32 $0x1B2E0;
	[dreg:$0xf] =	wrdreg s11  }
0x26: {  	s16 =	simm.s32 $0x5;
	[dreg:$0x15] =	wrdreg s0;
	s0 =	sshrl.u32 @!p0 s18, $0x3  }
0x27: {  	v0 =	vimm.bf16 $0.0e+00;
	v1 =	vimm.f32 $0.0e+00;
	v2 =	vimm.f32 $1.000000000e+00;
	s18 =	simm.s32 $0x19160;
	[dreg:$0x16] =	wrdreg s0;
	s0 =	simm.s32 $0x19260  }
.LBB2_1:
0x28: {  	s10 =	rddreg [dreg:$0x7]  }
0x29: {  	s12 =	simm.s32 @p0 $0x1FC8;
	s11 =	rddreg [dreg:$0x15]  }
0x2a: {  	[spmem:s11], [sflag:s12] =	dma.local @p0 [hbm:s10], $0xC80  }
0x2b: {  	s12 =	simm.s32 @p0 $0x8  }
0x2c: {  	_ =	swait.ge @p0 [sflag:s12], $0xC80  }
0x2d: {  	s15 =	sshll.u32 @!p0 s3, $0x6;
	[sflag:s12] =	ssyncset.done @p0 $0x0;
	s10 =	rddreg [dreg:$0x6]  }
0x2e: {  	s11 =	rddreg [dreg:$0x16];
	[sflag:s12] =	ssyncadd.s32 @p0 $0xFFFFF380;
	s12 =	sor.u32 @!p0 $0x1C08, s15  }
0x2f: {  	[spmem:s11], [sflag:s12] =	dma.local @!p0 [hbm:s10], $0x1400  }
0x30: {  	s12 =	simm.s32 @!p0 $0x8  }
0x31: {  	_ =	swait.ge @!p0 [sflag:s12], $0x1400  }
0x32: {  	[sflag:s12] =	ssyncset.done @!p0 $0x0  }
0x33: {  	s15 =	simm.s32 $0x200;
	[sflag:s12] =	ssyncadd.s32 @!p0 $0xFFFFEC00;
	s12 =	simm.s32 $0x0  }
.LBB2_2:
0x34: {  	p5 =	sne.s32 s15, $0x7E00;
	[tilespmem:s12+$0x19358] =	vst.msk $0xff, v0  }
0x35: {  	[tilespmem:s12+$0x192E0] =	vst.msk $0xff, v0  }
0x36: {  	[tilespmem:s12+$0x19320] =	vst.msk $0xff, v0  }
0x37: {  	[tilespmem:s12+$0x192E8] =	vst.msk $0xff, v0  }
0x38: {  	[tilespmem:s12+$0x19328] =	vst.msk $0xff, v0  }
0x39: {  	[tilespmem:s12+$0x192F0] =	vst.msk $0xff, v0  }
0x3a: {  	[tilespmem:s12+$0x19330] =	vst.msk $0xff, v0  }
0x3b: {  	[tilespmem:s12+$0x192F8] =	vst.msk $0xff, v0  }
0x3c: {  	[tilespmem:s12+$0x19338] =	vst.msk $0xff, v0  }
0x3d: {  	[tilespmem:s12+$0x19300] =	vst.msk $0xff, v0  }
0x3e: {  	[tilespmem:s12+$0x19340] =	vst.msk $0xff, v0  }
.Ltmp0:
0x3f: {  	[tilespmem:s12+$0x19308] =	vst.msk $0xff, v0;
	(pc) =	sbr.rel @p5 .LBB2_2-.Ltmp0, $4  }
0x40: {  	[tilespmem:s12+$0x19348] =	vst.msk $0xff, v0  }
0x41: {  	[tilespmem:s12+$0x19310] =	vst.msk $0xff, v0  }
0x42: {  	[tilespmem:s12+$0x19350] =	vst.msk $0xff, v0  }
0x43: {  	[tilespmem:s12+$0x19318] =	vst.msk $0xff, v0;
	s12 =	sshra.s32 s15, $0x2;
	s15 =	sadd.s32 $0x200, s15  }
0x44: {  	[tilespmem:s12+$0x19358] =	vst.msk $0xff, v0  }
0x45: {  	[tilespmem:s12+$0x192E0] =	vst.msk $0xff, v0  }
0x46: {  	[tilespmem:s12+$0x19320] =	vst.msk $0xff, v0  }
0x47: {  	[tilespmem:s12+$0x192E8] =	vst.msk $0xff, v0  }
0x48: {  	[tilespmem:s12+$0x19328] =	vst.msk $0xff, v0  }
0x49: {  	[tilespmem:s12+$0x192F0] =	vst.msk $0xff, v0  }
0x4a: {  	[tilespmem:s12+$0x19330] =	vst.msk $0xff, v0  }
0x4b: {  	[tilespmem:s12+$0x192F8] =	vst.msk $0xff, v0  }
0x4c: {  	[tilespmem:s12+$0x19338] =	vst.msk $0xff, v0  }
0x4d: {  	[tilespmem:s12+$0x19300] =	vst.msk $0xff, v0  }
0x4e: {  	[tilespmem:s12+$0x19340] =	vst.msk $0xff, v0  }
0x4f: {  	[tilespmem:s12+$0x19308] =	vst.msk $0xff, v0  }
0x50: {  	[tilespmem:s12+$0x19348] =	vst.msk $0xff, v0  }
0x51: {  	[tilespmem:s12+$0x19310] =	vst.msk $0xff, v0  }
0x52: {  	[tilespmem:s12+$0x19350] =	vst.msk $0xff, v0  }
0x53: {  	[tilespmem:s12+$0x19318] =	vst.msk $0xff, v0  }
0x54: {  	[tilespmem:$0x1F360] =	vst v1  }
0x55: {  	[tilespmem:$0x1F370] =	vst v1  }
0x56: {  	[tilespmem:$0x1F380] =	vst v1  }
0x57: {  	[tilespmem:$0x1F390] =	vst v1  }
0x58: {  	[tilespmem:$0x1F3A0] =	vst v1  }
0x59: {  	[tilespmem:$0x1F3B0] =	vst v1  }
0x5a: {  	[tilespmem:$0x1F3C0] =	vst v1  }
0x5b: {  	[tilespmem:$0x1F3D0] =	vst v1  }
0x5c: {  	[tilespmem:$0x1F3E0] =	vst v1  }
0x5d: {  	[tilespmem:$0x1F3F0] =	vst v1  }
0x5e: {  	[tilespmem:$0x1F400] =	vst v1  }
0x5f: {  	[tilespmem:$0x1F410] =	vst v1  }
0x60: {  	[tilespmem:$0x1F420] =	vst v1  }
0x61: {  	[tilespmem:$0x1F430] =	vst v1  }
0x62: {  	[tilespmem:$0x1F440] =	vst v1  }
0x63: {  	[tilespmem:$0x1F450] =	vst v1  }
0x64: {  	[tilespmem:$0x1F460] =	vst v1  }
0x65: {  	[tilespmem:$0x1F470] =	vst v1  }
0x66: {  	[tilespmem:$0x1F480] =	vst v1  }
0x67: {  	[tilespmem:$0x1F490] =	vst v1  }
0x68: {  	[tilespmem:$0x1F4A0] =	vst v1  }
0x69: {  	[tilespmem:$0x1F4B0] =	vst v1  }
0x6a: {  	[tilespmem:$0x1F4C0] =	vst v1  }
0x6b: {  	[tilespmem:$0x1F4D0] =	vst v1  }
0x6c: {  	[tilespmem:$0x1F4E0] =	vst v1  }
0x6d: {  	[tilespmem:$0x1F4F0] =	vst v1  }
0x6e: {  	[tilespmem:$0x1F500] =	vst v1  }
0x6f: {  	[tilespmem:$0x1F510] =	vst v1  }
0x70: {  	[tilespmem:$0x1F520] =	vst v1  }
0x71: {  	[tilespmem:$0x1F530] =	vst v1  }
0x72: {  	[tilespmem:$0x1F540] =	vst v1  }
0x73: {  	[tilespmem:$0x1F550] =	vst v1  }
0x74: {  	[tilespmem:$0x1F560] =	vst v1  }
0x75: {  	[tilespmem:$0x1F570] =	vst v1  }
0x76: {  	[tilespmem:$0x1F580] =	vst v1  }
0x77: {  	[tilespmem:$0x1F590] =	vst v1  }
0x78: {  	[tilespmem:$0x1F5A0] =	vst v1  }
0x79: {  	[tilespmem:$0x1F5B0] =	vst v1  }
0x7a: {  	[tilespmem:$0x1F5C0] =	vst v1  }
0x7b: {  	[tilespmem:$0x1F5D0] =	vst v1  }
0x7c: {  	[tilespmem:$0x1F2E0] =	vst v2  }
0x7d: {  	[tilespmem:$0x1F2F0] =	vst v2  }
0x7e: {  	[tilespmem:$0x1F300] =	vst v2  }
0x7f: {  	[tilespmem:$0x1F310] =	vst v2  }
0x80: {  	[tilespmem:$0x1F320] =	vst v2  }
0x81: {  	[tilespmem:$0x1F330] =	vst v2  }
0x82: {  	[tilespmem:$0x1F340] =	vst v2  }
0x83: {  	[tilespmem:$0x1F350] =	vst v2  }
0x84: {  	[spmem:s8] =	stream.linear.scatter [tilespmem:s6], [sflag:$0x8], $0x2000, $0x38;
	[tilespmem:$0x1F5E0] =	vst v63  }
0x85: {  	_ =	swait.ge [sflag:s7], $0x2000  }
0x86: {  	[sflag:s7] =	ssyncset.done $0x0  }
0x87: {  	s10 =	rddreg [dreg:$0x17];
	[sflag:s7] =	ssyncadd.s32 $0xFFFFE000  }
0x88: {  	[spmem:s10] =	stream.linear.scatter [tilespmem:s6], [sflag:$0x8], $0x2000, $0x38;
	[tilespmem:$0x1F5E0] =	vst v63  }
0x89: {  	_ =	swait.ge [sflag:s7], $0x2000  }
0x8a: {  	[sflag:s7] =	ssyncset.done $0x0  }
0x8b: {  	s15 =	rddreg [dreg:$0x18];
	[sflag:s7] =	ssyncadd.s32 $0xFFFFE000  }
0x8c: {  	[spmem:s15] =	stream.linear.scatter [tilespmem:s6], [sflag:$0x8], $0x2000, $0x38;
	[tilespmem:$0x1F5E0] =	vst v63  }
0x8d: {  	_ =	swait.ge [sflag:s7], $0x2000  }
0x8e: {  	[sflag:s7] =	ssyncset.done $0x0  }
0x8f: {  	s11 =	rddreg [dreg:$0x19];
	[sflag:s7] =	ssyncadd.s32 $0xFFFFE000  }
0x90: {  	[spmem:s11] =	stream.linear.scatter [tilespmem:s6], [sflag:$0x8], $0x2000, $0x38;
	[tilespmem:$0x1F5E0] =	vst v63  }
0x91: {  	_ =	swait.ge [sflag:s7], $0x2000  }
0x92: {  	[sflag:s7] =	ssyncset.done $0x0  }
0x93: {  	s12 =	rddreg [dreg:$0x1a];
	[sflag:s7] =	ssyncadd.s32 $0xFFFFE000  }
0x94: {  	[spmem:s12] =	stream.linear.scatter [tilespmem:s6], [sflag:$0x8], $0x2000, $0x38;
	[tilespmem:$0x1F5E0] =	vst v63  }
0x95: {  	_ =	swait.ge [sflag:s7], $0x2000  }
0x96: {  	[sflag:s7] =	ssyncset.done $0x0  }
0x97: {  	s15 =	simm.s32 $0x1F360;
	[sflag:s7] =	ssyncadd.s32 $0xFFFFE000  }
0x98: {  	[spmem:s9] =	stream.linear.scatter [tilespmem:s15], [sflag:$0x8], $0x280, $0x38;
	[tilespmem:$0x1F5E0] =	vst v63  }
0x99: {  	_ =	swait.ge [sflag:s7], $0x280  }
0x9a: {  	[sflag:s7] =	ssyncset.done $0x0  }
0x9b: {  	[sflag:s7] =	ssyncadd.s32 $0xFFFFFD80  }
0x9c: {  	[bflag:$0x0] =	sbarrier.arrive $0xFFFF  }
0x9d: {  	s12 =	simm.s32 $0x0;
	s11 =	rddreg [dreg:$0x9]  }
0x9e: {  	[tilespmem:s13], [sflag:$0x8] =	stream.linear.gather [hbm4b:s11+s12], $0x2A00, $0x38;
	[tilespmem:$0x1F5E0] =	vst v63  }
0x9f: {  	_ =	swait.ge [sflag:s7], $0x2A00  }
0xa0: {  	[sflag:s7] =	ssyncset.done $0x0  }
0xa1: {  	s11 =	simm.s32 $0x168E0;
	s15 =	rddreg [dreg:$0x8];
	[sflag:s7] =	ssyncadd.s32 $0xFFFFD600  }
0xa2: {  	[tilespmem:s11], [sflag:$0x8] =	stream.linear.gather [hbm4b:s15+s12], $0x2A00, $0x38;
	[tilespmem:$0x1F5E0] =	vst v63  }
0xa3: {  	_ =	swait.ge [sflag:s7], $0x2A00  }
0xa4: {  	[sflag:s7] =	ssyncset.done $0x0  }
0xa5: {  	[sflag:s7] =	ssyncadd.s32 $0xFFFFD600  }
0xa6: {  	[tilespmem:s6], [sflag:$0x1] =	stream.indirect.gather [spmem:s1], $0x40, s13, s17, $0xb8;
	[tilespmem:$0x1F5E0] =	vst v63  }
0xa7: {  	s12 =	simm.s32 $0x13F60  }
0xa8: {  	[tilespmem:s19], [sflag:$0x2] =	stream.indirect.gather [spmem:s1], $0x40, s12, s17, $0xb8;
	[tilespmem:$0x1F5E0] =	vst v63  }
0xa9: {  	s15 =	simm.s32 $0x13FE0  }
0xaa: {  	[tilespmem:s21], [sflag:$0x3] =	stream.indirect.gather [spmem:s1], $0x40, s15, s17, $0xb8;
	[tilespmem:$0x1F5E0] =	vst v63  }
0xab: {  	_ =	swait.ge [sflag:s22], $0x2000  }
0xac: {  	[sflag:s22] =	ssyncset.done $0x0  }
0xad: {  	s11 =	simm.s32 $0x168E0;
	[sflag:s22] =	ssyncadd.s32 $0xFFFFE000  }
0xae: {  	[spmem:s2] =	stream.indirect.scatter.add.bf16 [tilespmem:s6], [sflag:$0x4], $0x40, s11, s17, $0xb8;
	[tilespmem:$0x1F5E0] =	vst v63  }
0xaf: {  	_ = 	snop  }
0xb0: {  	[spmem:s4] =	stream.indirect.scatter.add.f32 [tilespmem:s23], [sflag:$0x7], $0x1, s11, s17, $0xb8;
	[tilespmem:$0x1F5E0] =	vst v63  }
0xb1: {  	_ =	swait.ge [sflag:s24], $0x2000  }
0xb2: {  	[sflag:s24] =	ssyncset.done $0x0  }
0xb3: {  	s15 =	simm.s32 $0x14060;
	[sflag:s24] =	ssyncadd.s32 $0xFFFFE000  }
0xb4: {  	[tilespmem:s6], [sflag:$0x1] =	stream.indirect.gather [spmem:s1], $0x40, s15, s17, $0xb8;
	[tilespmem:$0x1F5E0] =	vst v63  }
0xb5: {  	_ =	swait.ge [sflag:s25], $0x2000  }
0xb6: {  	[sflag:s25] =	ssyncset.done $0x0  }
0xb7: {  	s10 =	simm.s32 $0x16960;
	[sflag:s25] =	ssyncadd.s32 $0xFFFFE000  }
0xb8: {  	[spmem:s2] =	stream.indirect.scatter.add.bf16 [tilespmem:s19], [sflag:$0x5], $0x40, s10, s17, $0xb8;
	[tilespmem:$0x1F5E0] =	vst v63  }
0xb9: {  	_ = 	snop  }
0xba: {  	[spmem:s4] =	stream.indirect.scatter.add.f32 [tilespmem:s23], [sflag:$0x7], $0x1, s10, s17, $0xb8;
	[tilespmem:$0x1F5E0] =	vst v63  }
0xbb: {  	_ =	swait.ge [sflag:s16], $0x2000  }
0xbc: {  	[sflag:s16] =	ssyncset.done $0x0  }
0xbd: {  	s11 =	simm.s32 $0x140E0;
	[sflag:s16] =	ssyncadd.s32 $0xFFFFE000  }
0xbe: {  	[tilespmem:s19], [sflag:$0x2] =	stream.indirect.gather [spmem:s1], $0x40, s11, s17, $0xb8;
	[tilespmem:$0x1F5E0] =	vst v63  }
0xbf: {  	_ =	swait.ge [sflag:s29], $0x2000  }
0xc0: {  	[sflag:s29] =	ssyncset.done $0x0  }
0xc1: {  	s15 =	simm.s32 $0x169E0;
	[sflag:s29] =	ssyncadd.s32 $0xFFFFE000  }
0xc2: {  	[spmem:s2] =	stream.indirect.scatter.add.bf16 [tilespmem:s21], [sflag:$0x6], $0x40, s15, s17, $0xb8;
	[tilespmem:$0x1F5E0] =	vst v63  }
0xc3: {  	_ = 	snop  }
0xc4: {  	[spmem:s4] =	stream.indirect.scatter.add.f32 [tilespmem:s23], [sflag:$0x7], $0x1, s15, s17, $0xb8;
	[tilespmem:$0x1F5E0] =	vst v63  }
0xc5: {  	_ =	swait.ge [sflag:s30], $0x2000  }
0xc6: {  	[sflag:s30] =	ssyncset.done $0x0  }
0xc7: {  	s12 =	simm.s32 $0x600;
	s15 =	simm.s32 $0x14160;
	[sflag:s30] =	ssyncadd.s32 $0xFFFFE000  }
.LBB2_4:
0xc8: {  	[tilespmem:s21], [sflag:$0x3] =	stream.indirect.gather [spmem:s1], $0x40, s15, s17, $0xb8;
	[tilespmem:$0x1F5E0] =	vst v63  }
0xc9: {  	s15 =	smov.u32 s12  }
0xca: {  	p5 =	sne.s32 s12, $0x9C00;
	s12 =	sadd.s32 $0x600, s12;
	_ =	swait.ge [sflag:s22], $0x2000  }
0xcb: {  	s15 =	sshra.s32 s15, $0x2;
	[sflag:s22] =	ssyncset.done $0x0  }
0xcc: {  	s10 =	sadd.s32 $0x168E0, s15;
	[sflag:s22] =	ssyncadd.s32 $0xFFFFE000  }
0xcd: {  	[spmem:s2] =	stream.indirect.scatter.add.bf16 [tilespmem:s6], [sflag:$0x4], $0x40, s10, s17, $0xb8;
	[tilespmem:$0x1F5E0] =	vst v63  }
0xce: {  	_ = 	snop  }
0xcf: {  	[spmem:s4] =	stream.indirect.scatter.add.f32 [tilespmem:s23], [sflag:$0x7], $0x1, s10, s17, $0xb8;
	[tilespmem:$0x1F5E0] =	vst v63  }
0xd0: {  	_ =	swait.ge [sflag:s24], $0x2000  }
0xd1: {  	[sflag:s24] =	ssyncset.done $0x0  }
0xd2: {  	s10 =	sadd.s32 $0x14060, s15;
	[sflag:s24] =	ssyncadd.s32 $0xFFFFE000  }
0xd3: {  	[tilespmem:s6], [sflag:$0x1] =	stream.indirect.gather [spmem:s1], $0x40, s10, s17, $0xb8;
	[tilespmem:$0x1F5E0] =	vst v63  }
0xd4: {  	_ =	swait.ge [sflag:s25], $0x2000  }
0xd5: {  	[sflag:s25] =	ssyncset.done $0x0  }
0xd6: {  	s10 =	sadd.s32 $0x16960, s15;
	[sflag:s25] =	ssyncadd.s32 $0xFFFFE000  }
0xd7: {  	[spmem:s2] =	stream.indirect.scatter.add.bf16 [tilespmem:s19], [sflag:$0x5], $0x40, s10, s17, $0xb8;
	[tilespmem:$0x1F5E0] =	vst v63  }
0xd8: {  	_ = 	snop  }
0xd9: {  	[spmem:s4] =	stream.indirect.scatter.add.f32 [tilespmem:s23], [sflag:$0x7], $0x1, s10, s17, $0xb8;
	[tilespmem:$0x1F5E0] =	vst v63  }
0xda: {  	_ =	swait.ge [sflag:s16], $0x2000  }
0xdb: {  	[sflag:s16] =	ssyncset.done $0x0  }
0xdc: {  	s10 =	sadd.s32 $0x140E0, s15;
	[sflag:s16] =	ssyncadd.s32 $0xFFFFE000  }
0xdd: {  	[tilespmem:s19], [sflag:$0x2] =	stream.indirect.gather [spmem:s1], $0x40, s10, s17, $0xb8;
	[tilespmem:$0x1F5E0] =	vst v63  }
0xde: {  	_ =	swait.ge [sflag:s29], $0x2000  }
0xdf: {  	[sflag:s29] =	ssyncset.done $0x0  }
0xe0: {  	s10 =	sadd.s32 $0x169E0, s15;
	[sflag:s29] =	ssyncadd.s32 $0xFFFFE000  }
0xe1: {  	[spmem:s2] =	stream.indirect.scatter.add.bf16 [tilespmem:s21], [sflag:$0x6], $0x40, s10, s17, $0xb8;
	[tilespmem:$0x1F5E0] =	vst v63  }
.Ltmp1:
0xe2: {  	(pc) =	sbr.rel @p5 .LBB2_4-.Ltmp1, $4  }
0xe3: {  	[spmem:s4] =	stream.indirect.scatter.add.f32 [tilespmem:s23], [sflag:$0x7], $0x1, s10, s17, $0xb8;
	[tilespmem:$0x1F5E0] =	vst v63  }
0xe4: {  	_ =	swait.ge [sflag:s30], $0x2000  }
0xe5: {  	[sflag:s30] =	ssyncset.done $0x0  }
0xe6: {  	s15 =	sadd.s32 $0x14160, s15;
	[sflag:s30] =	ssyncadd.s32 $0xFFFFE000  }
0xe7: {  	[tilespmem:s21], [sflag:$0x3] =	stream.indirect.gather [spmem:s1], $0x40, s15, s17, $0xb8;
	[tilespmem:$0x1F5E0] =	vst v63  }
0xe8: {  	_ =	swait.ge [sflag:s22], $0x2000  }
0xe9: {  	[sflag:s22] =	ssyncset.done $0x0  }
0xea: {  	[sflag:s22] =	ssyncadd.s32 $0xFFFFE000  }
0xeb: {  	[spmem:s2] =	stream.indirect.scatter.add.bf16 [tilespmem:s6], [sflag:$0x4], $0x40, s18, s17, $0xb8;
	[tilespmem:$0x1F5E0] =	vst v63  }
0xec: {  	_ = 	snop  }
0xed: {  	[spmem:s4] =	stream.indirect.scatter.add.f32 [tilespmem:s23], [sflag:$0x7], $0x1, s18, s17, $0xb8;
	[tilespmem:$0x1F5E0] =	vst v63  }
0xee: {  	_ =	swait.ge [sflag:s25], $0x2000  }
0xef: {  	[sflag:s25] =	ssyncset.done $0x0  }
0xf0: {  	[sflag:s25] =	ssyncadd.s32 $0xFFFFE000  }
0xf1: {  	[spmem:s2] =	stream.indirect.scatter.add.bf16 [tilespmem:s19], [sflag:$0x5], $0x40, s31, s17, $0xb8;
	[tilespmem:$0x1F5E0] =	vst v63  }
0xf2: {  	_ = 	snop  }
0xf3: {  	[spmem:s4] =	stream.indirect.scatter.add.f32 [tilespmem:s23], [sflag:$0x7], $0x1, s31, s17, $0xb8;
	[tilespmem:$0x1F5E0] =	vst v63  }
0xf4: {  	_ =	swait.ge [sflag:s29], $0x2000  }
0xf5: {  	[sflag:s29] =	ssyncset.done $0x0  }
0xf6: {  	[sflag:s29] =	ssyncadd.s32 $0xFFFFE000  }
0xf7: {  	[spmem:s2] =	stream.indirect.scatter.add.bf16 [tilespmem:s21], [sflag:$0x6], $0x40, s0, s17, $0xb8;
	[tilespmem:$0x1F5E0] =	vst v63  }
0xf8: {  	_ = 	snop  }
0xf9: {  	[spmem:s4] =	stream.indirect.scatter.add.f32 [tilespmem:s23], [sflag:$0x7], $0x1, s0, s17, $0xb8;
	[tilespmem:$0x1F5E0] =	vst v63  }
0xfa: {  	_ =	swait.ge [sflag:s24], $0x2000  }
0xfb: {  	[sflag:s24] =	ssyncset.done $0x0  }
0xfc: {  	[sflag:s24] =	ssyncadd.s32 $0xFFFFE000  }
0xfd: {  	_ =	swait.ge [sflag:s16], $0x2000  }
0xfe: {  	[sflag:s16] =	ssyncset.done $0x0  }
0xff: {  	[sflag:s16] =	ssyncadd.s32 $0xFFFFE000  }
0x100: {  	_ =	swait.ge [sflag:s30], $0x2000  }
0x101: {  	[sflag:s30] =	ssyncset.done $0x0  }
0x102: {  	[sflag:s30] =	ssyncadd.s32 $0xFFFFE000  }
0x103: {  	_ =	swait.ge [sflag:s20], $0x2A00  }
0x104: {  	[sflag:s20] =	ssyncset.done $0x0  }
0x105: {  	s10 =	simm.s32 $0x0;
	s12 =	rddreg [dreg:$0xb];
	[sflag:s20] =	ssyncadd.s32 $0xFFFFD600  }
0x106: {  	[tilespmem:s13], [sflag:$0x8] =	stream.linear.gather [hbm4b:s12+s10], $0x2A00, $0x38;
	[tilespmem:$0x1F5E0] =	vst v63  }
0x107: {  	_ =	swait.ge [sflag:s7], $0x2A00  }
0x108: {  	[sflag:s7] =	ssyncset.done $0x0  }
0x109: {  	s15 =	simm.s32 $0x168E0;
	s11 =	rddreg [dreg:$0xd];
	[sflag:s7] =	ssyncadd.s32 $0xFFFFD600  }
0x10a: {  	[tilespmem:s15], [sflag:$0x8] =	stream.linear.gather [hbm4b:s11+s10], $0x2A00, $0x38;
	[tilespmem:$0x1F5E0] =	vst v63  }
0x10b: {  	_ =	swait.ge [sflag:s7], $0x2A00  }
0x10c: {  	[sflag:s7] =	ssyncset.done $0x0  }
0x10d: {  	[sflag:s7] =	ssyncadd.s32 $0xFFFFD600  }
0x10e: {  	[tilespmem:s6], [sflag:$0x1] =	stream.indirect.gather [spmem:s1], $0x40, s13, s17, $0xb8;
	[tilespmem:$0x1F5E0] =	vst v63  }
0x10f: {  	s15 =	simm.s32 $0x13F60  }
0x110: {  	[tilespmem:s19], [sflag:$0x2] =	stream.indirect.gather [spmem:s1], $0x40, s15, s17, $0xb8;
	[tilespmem:$0x1F5E0] =	vst v63  }
0x111: {  	s11 =	simm.s32 $0x13FE0  }
0x112: {  	[tilespmem:s21], [sflag:$0x3] =	stream.indirect.gather [spmem:s1], $0x40, s11, s17, $0xb8;
	[tilespmem:$0x1F5E0] =	vst v63  }
0x113: {  	_ =	swait.ge [sflag:s22], $0x2000  }
0x114: {  	[sflag:s22] =	ssyncset.done $0x0  }
0x115: {  	s12 =	simm.s32 $0x168E0;
	[sflag:s22] =	ssyncadd.s32 $0xFFFFE000  }
0x116: {  	[spmem:s2] =	stream.indirect.scatter.add.bf16 [tilespmem:s6], [sflag:$0x4], $0x40, s12, s17, $0xb8;
	[tilespmem:$0x1F5E0] =	vst v63  }
0x117: {  	_ = 	snop  }
0x118: {  	[spmem:s4] =	stream.indirect.scatter.add.f32 [tilespmem:s23], [sflag:$0x7], $0x1, s12, s17, $0xb8;
	[tilespmem:$0x1F5E0] =	vst v63  }
0x119: {  	_ =	swait.ge [sflag:s24], $0x2000  }
0x11a: {  	[sflag:s24] =	ssyncset.done $0x0  }
0x11b: {  	s15 =	simm.s32 $0x14060;
	[sflag:s24] =	ssyncadd.s32 $0xFFFFE000  }
0x11c: {  	[tilespmem:s6], [sflag:$0x1] =	stream.indirect.gather [spmem:s1], $0x40, s15, s17, $0xb8;
	[tilespmem:$0x1F5E0] =	vst v63  }
0x11d: {  	_ =	swait.ge [sflag:s25], $0x2000  }
0x11e: {  	[sflag:s25] =	ssyncset.done $0x0  }
0x11f: {  	s11 =	simm.s32 $0x16960;
	[sflag:s25] =	ssyncadd.s32 $0xFFFFE000  }
0x120: {  	[spmem:s2] =	stream.indirect.scatter.add.bf16 [tilespmem:s19], [sflag:$0x5], $0x40, s11, s17, $0xb8;
	[tilespmem:$0x1F5E0] =	vst v63  }
0x121: {  	_ = 	snop  }
0x122: {  	[spmem:s4] =	stream.indirect.scatter.add.f32 [tilespmem:s23], [sflag:$0x7], $0x1, s11, s17, $0xb8;
	[tilespmem:$0x1F5E0] =	vst v63  }
0x123: {  	_ =	swait.ge [sflag:s16], $0x2000  }
0x124: {  	[sflag:s16] =	ssyncset.done $0x0  }
0x125: {  	s12 =	simm.s32 $0x140E0;
	[sflag:s16] =	ssyncadd.s32 $0xFFFFE000  }
0x126: {  	[tilespmem:s19], [sflag:$0x2] =	stream.indirect.gather [spmem:s1], $0x40, s12, s17, $0xb8;
	[tilespmem:$0x1F5E0] =	vst v63  }
0x127: {  	_ =	swait.ge [sflag:s29], $0x2000  }
0x128: {  	[sflag:s29] =	ssyncset.done $0x0  }
0x129: {  	s15 =	simm.s32 $0x169E0;
	[sflag:s29] =	ssyncadd.s32 $0xFFFFE000  }
0x12a: {  	[spmem:s2] =	stream.indirect.scatter.add.bf16 [tilespmem:s21], [sflag:$0x6], $0x40, s15, s17, $0xb8;
	[tilespmem:$0x1F5E0] =	vst v63  }
0x12b: {  	_ = 	snop  }
0x12c: {  	[spmem:s4] =	stream.indirect.scatter.add.f32 [tilespmem:s23], [sflag:$0x7], $0x1, s15, s17, $0xb8;
	[tilespmem:$0x1F5E0] =	vst v63  }
0x12d: {  	_ =	swait.ge [sflag:s30], $0x2000  }
0x12e: {  	[sflag:s30] =	ssyncset.done $0x0  }
0x12f: {  	s12 =	simm.s32 $0x600;
	s15 =	simm.s32 $0x14160;
	[sflag:s30] =	ssyncadd.s32 $0xFFFFE000  }
.LBB2_6:
0x130: {  	[tilespmem:s21], [sflag:$0x3] =	stream.indirect.gather [spmem:s1], $0x40, s15, s17, $0xb8;
	[tilespmem:$0x1F5E0] =	vst v63  }
0x131: {  	s10 =	smov.u32 s12  }
0x132: {  	p5 =	sne.s32 s12, $0x9C00;
	s12 =	sadd.s32 $0x600, s12;
	_ =	swait.ge [sflag:s22], $0x2000  }
0x133: {  	s10 =	sshra.s32 s10, $0x2;
	[sflag:s22] =	ssyncset.done $0x0  }
0x134: {  	s15 =	sadd.s32 $0x168E0, s10;
	[sflag:s22] =	ssyncadd.s32 $0xFFFFE000  }
0x135: {  	[spmem:s2] =	stream.indirect.scatter.add.bf16 [tilespmem:s6], [sflag:$0x4], $0x40, s15, s17, $0xb8;
	[tilespmem:$0x1F5E0] =	vst v63  }
0x136: {  	_ = 	snop  }
0x137: {  	[spmem:s4] =	stream.indirect.scatter.add.f32 [tilespmem:s23], [sflag:$0x7], $0x1, s15, s17, $0xb8;
	[tilespmem:$0x1F5E0] =	vst v63  }
0x138: {  	_ =	swait.ge [sflag:s24], $0x2000  }
0x139: {  	[sflag:s24] =	ssyncset.done $0x0  }
0x13a: {  	s15 =	sadd.s32 $0x14060, s10;
	[sflag:s24] =	ssyncadd.s32 $0xFFFFE000  }
0x13b: {  	[tilespmem:s6], [sflag:$0x1] =	stream.indirect.gather [spmem:s1], $0x40, s15, s17, $0xb8;
	[tilespmem:$0x1F5E0] =	vst v63  }
0x13c: {  	_ =	swait.ge [sflag:s25], $0x2000  }
0x13d: {  	[sflag:s25] =	ssyncset.done $0x0  }
0x13e: {  	s15 =	sadd.s32 $0x16960, s10;
	[sflag:s25] =	ssyncadd.s32 $0xFFFFE000  }
0x13f: {  	[spmem:s2] =	stream.indirect.scatter.add.bf16 [tilespmem:s19], [sflag:$0x5], $0x40, s15, s17, $0xb8;
	[tilespmem:$0x1F5E0] =	vst v63  }
0x140: {  	_ = 	snop  }
0x141: {  	[spmem:s4] =	stream.indirect.scatter.add.f32 [tilespmem:s23], [sflag:$0x7], $0x1, s15, s17, $0xb8;
	[tilespmem:$0x1F5E0] =	vst v63  }
0x142: {  	_ =	swait.ge [sflag:s16], $0x2000  }
0x143: {  	[sflag:s16] =	ssyncset.done $0x0  }
0x144: {  	s15 =	sadd.s32 $0x140E0, s10;
	[sflag:s16] =	ssyncadd.s32 $0xFFFFE000  }
0x145: {  	[tilespmem:s19], [sflag:$0x2] =	stream.indirect.gather [spmem:s1], $0x40, s15, s17, $0xb8;
	[tilespmem:$0x1F5E0] =	vst v63  }
0x146: {  	_ =	swait.ge [sflag:s29], $0x2000  }
0x147: {  	[sflag:s29] =	ssyncset.done $0x0  }
0x148: {  	s15 =	sadd.s32 $0x169E0, s10;
	[sflag:s29] =	ssyncadd.s32 $0xFFFFE000  }
0x149: {  	[spmem:s2] =	stream.indirect.scatter.add.bf16 [tilespmem:s21], [sflag:$0x6], $0x40, s15, s17, $0xb8;
	[tilespmem:$0x1F5E0] =	vst v63  }
.Ltmp2:
0x14a: {  	(pc) =	sbr.rel @p5 .LBB2_6-.Ltmp2, $4  }
0x14b: {  	[spmem:s4] =	stream.indirect.scatter.add.f32 [tilespmem:s23], [sflag:$0x7], $0x1, s15, s17, $0xb8;
	[tilespmem:$0x1F5E0] =	vst v63  }
0x14c: {  	_ =	swait.ge [sflag:s30], $0x2000  }
0x14d: {  	[sflag:s30] =	ssyncset.done $0x0  }
0x14e: {  	s15 =	sadd.s32 $0x14160, s10;
	[sflag:s30] =	ssyncadd.s32 $0xFFFFE000  }
0x14f: {  	[tilespmem:s21], [sflag:$0x3] =	stream.indirect.gather [spmem:s1], $0x40, s15, s17, $0xb8;
	[tilespmem:$0x1F5E0] =	vst v63  }
0x150: {  	_ =	swait.ge [sflag:s22], $0x2000  }
0x151: {  	[sflag:s22] =	ssyncset.done $0x0  }
0x152: {  	[sflag:s22] =	ssyncadd.s32 $0xFFFFE000  }
0x153: {  	[spmem:s2] =	stream.indirect.scatter.add.bf16 [tilespmem:s6], [sflag:$0x4], $0x40, s18, s17, $0xb8;
	[tilespmem:$0x1F5E0] =	vst v63  }
0x154: {  	_ = 	snop  }
0x155: {  	[spmem:s4] =	stream.indirect.scatter.add.f32 [tilespmem:s23], [sflag:$0x7], $0x1, s18, s17, $0xb8;
	[tilespmem:$0x1F5E0] =	vst v63  }
0x156: {  	_ =	swait.ge [sflag:s25], $0x2000  }
0x157: {  	[sflag:s25] =	ssyncset.done $0x0  }
0x158: {  	[sflag:s25] =	ssyncadd.s32 $0xFFFFE000  }
0x159: {  	[spmem:s2] =	stream.indirect.scatter.add.bf16 [tilespmem:s19], [sflag:$0x5], $0x40, s31, s17, $0xb8;
	[tilespmem:$0x1F5E0] =	vst v63  }
0x15a: {  	_ = 	snop  }
0x15b: {  	[spmem:s4] =	stream.indirect.scatter.add.f32 [tilespmem:s23], [sflag:$0x7], $0x1, s31, s17, $0xb8;
	[tilespmem:$0x1F5E0] =	vst v63  }
0x15c: {  	_ =	swait.ge [sflag:s29], $0x2000  }
0x15d: {  	[sflag:s29] =	ssyncset.done $0x0  }
0x15e: {  	[sflag:s29] =	ssyncadd.s32 $0xFFFFE000  }
0x15f: {  	[spmem:s2] =	stream.indirect.scatter.add.bf16 [tilespmem:s21], [sflag:$0x6], $0x40, s0, s17, $0xb8;
	[tilespmem:$0x1F5E0] =	vst v63  }
0x160: {  	_ = 	snop  }
0x161: {  	[spmem:s4] =	stream.indirect.scatter.add.f32 [tilespmem:s23], [sflag:$0x7], $0x1, s0, s17, $0xb8;
	[tilespmem:$0x1F5E0] =	vst v63  }
0x162: {  	_ =	swait.ge [sflag:s24], $0x2000  }
0x163: {  	[sflag:s24] =	ssyncset.done $0x0  }
0x164: {  	[sflag:s24] =	ssyncadd.s32 $0xFFFFE000  }
0x165: {  	_ =	swait.ge [sflag:s16], $0x2000  }
0x166: {  	[sflag:s16] =	ssyncset.done $0x0  }
0x167: {  	[sflag:s16] =	ssyncadd.s32 $0xFFFFE000  }
0x168: {  	_ =	swait.ge [sflag:s30], $0x2000  }
0x169: {  	[sflag:s30] =	ssyncset.done $0x0  }
0x16a: {  	[sflag:s30] =	ssyncadd.s32 $0xFFFFE000  }
0x16b: {  	_ =	swait.ge [sflag:s20], $0x2A00  }
0x16c: {  	[sflag:s20] =	ssyncset.done $0x0  }
0x16d: {  	[sflag:s20] =	ssyncadd.s32 $0xFFFFD600  }
0x16e: {  	[bflag:$0x0] =	sbarrier.arrive $0xFFFF  }
0x16f: {  	s10 =	sshrl.u32 @!p1 s26, $0x3;
	s12 =	simm.s32 @!p1 $0x1FC8;
	s11 =	rddreg [dreg:$0xe]  }
0x170: {  	[hbm:s11], [sflag:s12] =	dma.local @!p1 [spmem:s10], $0xC80  }
0x171: {  	s10 =	simm.s32 @!p1 $0x8  }
0x172: {  	_ =	swait.ge @!p1 [sflag:s10], $0xC80  }
0x173: {  	[sflag:s10] =	ssyncset.done @!p1 $0x0  }
0x174: {  	s12 =	simm.s32 @!p1 $0x1F360;
	[sflag:s10] =	ssyncadd.s32 @!p1 $0xFFFFF380  }
0x175: {  	[tilespmem:s12], [sflag:$0x8] =	stream.linear.gather @!p1 [spmem:s28], $0x190, $0x38;
	[tilespmem:$0x1F5E0] =	vst v63  }
0x176: {  	_ =	swait.ge @!p1 [sflag:s10], $0x190  }
0x177: {  	[sflag:s10] =	ssyncset.done @!p1 $0x0  }
0x178: {  	s15 =	simm.s32 @!p1 $0x0;
	s11 =	rddreg [dreg:$0xf];
	[sflag:s10] =	ssyncadd.s32 @!p1 $0xFFFFFE70  }
0x179: {  	[hbm4b:s11+s15] =	stream.linear.scatter @!p1 [tilespmem:s12], [sflag:$0x8], $0x190, $0x38;
	[tilespmem:$0x1F5E0] =	vst v63  }
0x17a: {  	_ =	swait.ge @!p1 [sflag:s10], $0x190  }
0x17b: {  	s12 =	sshll.u32 @!p2 s3, $0x6;
	[sflag:s10] =	ssyncset.done @!p1 $0x0;
	s15 =	rddreg [dreg:$0xa]  }
0x17c: {  	[sflag:s10] =	ssyncadd.s32 @!p1 $0xFFFFFE70;
	s10 =	sor.u32 @!p2 $0x1C08, s12;
	s12 =	sshrl.u32 @!p2 s14, $0x3  }
0x17d: {  	[hbm:s15], [sflag:s10] =	dma.local @!p2 [spmem:s12], $0x1400  }
0x17e: {  	s10 =	simm.s32 @!p2 $0x8  }
0x17f: {  	_ =	swait.ge @!p2 [sflag:s10], $0x1400  }
0x180: {  	[sflag:s10] =	ssyncset.done @!p2 $0x0  }
0x181: {  	s12 =	simm.s32 @!p2 $0x1F360;
	[sflag:s10] =	ssyncadd.s32 @!p2 $0xFFFFEC00  }
0x182: {  	[tilespmem:s12], [sflag:$0x8] =	stream.linear.gather @!p2 [spmem:s9], $0x280, $0x38;
	[tilespmem:$0x1F5E0] =	vst v63  }
0x183: {  	_ =	swait.ge @!p2 [sflag:s10], $0x280  }
0x184: {  	[sflag:s10] =	ssyncset.done @!p2 $0x0  }
0x185: {  	s15 =	simm.s32 @!p2 $0x0;
	s11 =	rddreg [dreg:$0xc];
	[sflag:s10] =	ssyncadd.s32 @!p2 $0xFFFFFD80  }
0x186: {  	[hbm4b:s11+s15] =	stream.linear.scatter @!p2 [tilespmem:s12], [sflag:$0x8], $0x280, $0x38;
	[tilespmem:$0x1F5E0] =	vst v63  }
0x187: {  	_ =	swait.ge @!p2 [sflag:s10], $0x280  }
0x188: {  	s12 =	simm.s32 @!p3 $0x1FC8;
	[sflag:s10] =	ssyncset.done @!p2 $0x0  }
0x189: {  	s11 =	rddreg [dreg:$0x12];
	[sflag:s10] =	ssyncadd.s32 @!p2 $0xFFFFFD80;
	s10 =	sshrl.u32 @!p3 s26, $0x3  }
0x18a: {  	[hbm:s11], [sflag:s12] =	dma.local @!p3 [spmem:s10], $0xC80  }
0x18b: {  	s10 =	simm.s32 @!p3 $0x8  }
0x18c: {  	_ =	swait.ge @!p3 [sflag:s10], $0xC80  }
0x18d: {  	[sflag:s10] =	ssyncset.done @!p3 $0x0  }
0x18e: {  	s12 =	simm.s32 @!p3 $0x1F360;
	[sflag:s10] =	ssyncadd.s32 @!p3 $0xFFFFF380  }
0x18f: {  	[tilespmem:s12], [sflag:$0x8] =	stream.linear.gather @!p3 [spmem:s28], $0x190, $0x38;
	[tilespmem:$0x1F5E0] =	vst v63  }
0x190: {  	_ =	swait.ge @!p3 [sflag:s10], $0x190  }
0x191: {  	[sflag:s10] =	ssyncset.done @!p3 $0x0  }
0x192: {  	s15 =	simm.s32 @!p3 $0x0;
	s11 =	rddreg [dreg:$0x13];
	[sflag:s10] =	ssyncadd.s32 @!p3 $0xFFFFFE70  }
0x193: {  	[hbm4b:s11+s15] =	stream.linear.scatter @!p3 [tilespmem:s12], [sflag:$0x8], $0x190, $0x38;
	[tilespmem:$0x1F5E0] =	vst v63  }
0x194: {  	_ =	swait.ge @!p3 [sflag:s10], $0x190  }
0x195: {  	s12 =	sshll.u32 @!p4 s3, $0x6;
	[sflag:s10] =	ssyncset.done @!p3 $0x0;
	s11 =	rddreg [dreg:$0x10]  }
0x196: {  	[sflag:s10] =	ssyncadd.s32 @!p3 $0xFFFFFE70;
	s10 =	sor.u32 @!p4 $0x1C08, s12;
	s12 =	sshrl.u32 @!p4 s14, $0x3  }
0x197: {  	[hbm:s11], [sflag:s10] =	dma.local @!p4 [spmem:s12], $0x1400  }
0x198: {  	s10 =	simm.s32 @!p4 $0x8  }
0x199: {  	_ =	swait.ge @!p4 [sflag:s10], $0x1400  }
0x19a: {  	[sflag:s10] =	ssyncset.done @!p4 $0x0  }
0x19b: {  	s12 =	simm.s32 @!p4 $0x1F360;
	[sflag:s10] =	ssyncadd.s32 @!p4 $0xFFFFEC00  }
0x19c: {  	[tilespmem:s12], [sflag:$0x8] =	stream.linear.gather @!p4 [spmem:s9], $0x280, $0x38;
	[tilespmem:$0x1F5E0] =	vst v63  }
0x19d: {  	_ =	swait.ge @!p4 [sflag:s10], $0x280  }
0x19e: {  	[sflag:s10] =	ssyncset.done @!p4 $0x0  }
0x19f: {  	s15 =	simm.s32 @!p4 $0x0;
	s11 =	rddreg [dreg:$0x11];
	[sflag:s10] =	ssyncadd.s32 @!p4 $0xFFFFFD80  }
0x1a0: {  	[hbm4b:s11+s15] =	stream.linear.scatter @!p4 [tilespmem:s12], [sflag:$0x8], $0x280, $0x38;
	[tilespmem:$0x1F5E0] =	vst v63  }
0x1a1: {  	_ =	swait.ge @!p4 [sflag:s10], $0x280  }
0x1a2: {  	s5 =	sadd.s32 $0x1, s5;
	s15 =	rddreg [dreg:$0x14]  }
0x1a3: {  	p5 =	sne.s32 s5, s15  }
.Ltmp3:
0x1a4: {  	_ = 	snop;
	(pc) =	sbr.rel @p5 .LBB2_1-.Ltmp3, $3  }
0x1a5: {  	_ =	sdelay $0x1  }
0x1a6: {  	[sflag:s10] =	ssyncset.done @!p4 $0x0  }
0x1a7: {  	[sflag:s10] =	ssyncadd.s32 @!p4 $0xFFFFFD80  }
0x1a8: {  	_ =	sfence.sel $0x180000  }
0x1a9: {  	[bflag:$0x0] =	sbarrier.arrive $0xFFFF  }
0x1aa: {  	_ =	strace $0x90000047  }
0x1ab: {  	[bflag:$0x2] =	sbarrier.arrive $0xFFFF  }
0x1ac: {  	p0 =	sne.s32 s3, $0x0;
	s0 =	rddreg [dreg:$0x5]  }
0x1ad: {  	s0 =	sadd.s32 @!p0 $0x100000, s0  }
0x1ae: {  	[sflag:s0] =	ssyncadd.tile.s32 @!p0 $0x1;
	_ =	shalt  }
.Lfunc_end2:
_tile_overlayer_lowered:
.L_overlay_start_2:
0x1af: {  	(tag) =	ssettag $0x2  }
0x1b0: {  	s0 =	rddreg [dreg:$0x0];
	s2 =	stileid.u32  }
0x1b1: {  	s1 =	rddreg [dreg:$0x1];
	p0 =	sne.s32 s2, $0x0  }
0x1b2: {  	s3 =	rddreg [dreg:$0x2];
	[bflag:$0x3] =	sbarrier.arrive $0xFFFF;
	s2 =	simm.s32 @!p0 $0x1C08  }
0x1b3: {  	[timem:s3], [sflag:s2] =	dma.local @!p0 [hbm:s0], s1  }
0x1b4: {  	s0 =	simm.s32 @!p0 $0x8  }
0x1b5: {  	_ =	swait.ge @!p0 [sflag:s0], s1  }
0x1b6: {  	s1 =	ssub.s32 @!p0 $0x0, s1;
	[sflag:s0] =	ssyncset.done @!p0 $0x0  }
0x1b7: {  	[sflag:s0] =	ssyncadd.s32 @!p0 s1  }
0x1b8: {  	[bflag:$0x3] =	sbarrier.arrive $0xFFFF  }
0x1b9: {  	_ =	shalt  }

</sc_bundles>
